<compile_context>
chip_gen: v7x
topology: tpu7x:2x2x1
jax: 0.10.2.dev20260603
libtpu: 0.0.44.dev20260713+nightly
codegen_flags: <defaults>
</compile_context>

<pallas_src>
import functools

import jax
import jax.numpy as jnp
from jax import lax
from jax.experimental import pallas as pl
from jax.experimental.pallas import tpu as pltpu
from jax.experimental.pallas import tpu_sc as plsc

_N, _U, _V, _C, _H, _W = 2, 5, 5, 64, 64, 64
_PNH, _PSH, _K = 8, 8, 6
_B = _N * _PNH
_P = _V * _W
_S = _U * _PSH
_D = _S * _C
_R = _B * _P * _K


def _k1_dist_topk(ysr_ref, out_ref):
    b = pl.program_id(0)
    x = ysr_ref[...]
    g = lax.dot_general(x, x, (((1,), (1,)), ((), ())),
                        preferred_element_type=jnp.float32)
    rn = jnp.sum(x * x, axis=1)
    d = rn[:, None] + rn[None, :] - 2.0 * g
    colio = lax.broadcasted_iota(jnp.int32, (_P, _P), 1)
    big = jnp.int32(1 << 30)
    rows = []
    for k in range(_K):
        minv = jnp.min(d, axis=1, keepdims=True)
        m = jnp.min(jnp.where(d <= minv, colio, big), axis=1)
        rows.append(b * _P + m)
        d = jnp.where(colio == m[:, None], jnp.float32(jnp.inf), d)
    rows.append(rows[0])
    rows.append(rows[0])
    out_ref[...] = jnp.stack(rows, axis=0)


def _k35_w1sum(sel_ref, w_ref, out_ref):
    acc = jnp.zeros((_W * _S, _C), jnp.float32)
    for k in range(_K):
        xk = sel_ref[:, k, :, :].reshape(_W * _S, _C)
        acc = acc + jnp.dot(xk, w_ref[k],
                            preferred_element_type=jnp.float32)
    acc = jnp.where(acc >= 0, acc, 0.1 * acc)
    out_ref[...] = acc.reshape(_W, _U, _PSH, _C)


def _k4_conv3(xf_ref, xs_ref, w_ref, out_ref):
    nb = xf_ref.shape[0]
    pad = ((0, 0), (1, 1), (1, 1), (0, 0))
    xc = jnp.concatenate([xf_ref[...], xs_ref[...]], axis=-1)
    xp = jnp.pad(xc, pad)
    acc = jnp.zeros((nb * _U * _H, _C), jnp.float32)
    for du in range(3):
        for dh in range(3):
            a = xp[:, du:du + _U, dh:dh + _H, :].reshape(nb * _U * _H,
                                                         2 * _C)
            acc = acc + jnp.dot(a, w_ref[du, dh],
                                preferred_element_type=jnp.float32)
    acc = jnp.where(acc >= 0, acc, 0.1 * acc)
    out_ref[...] = acc.reshape(nb, _U, _H, _C)


def _sc_gather(table_f, gidx_f):
    info = plsc.get_sparse_core_info()
    nc, ns = info.num_cores, info.num_subcores
    nw = nc * ns
    rpw = _R // nw
    ch = 8
    for cand in (24, 16, 8):
        if rpw % (2 * cand) == 0:
            ch = cand
            break
    npairs = rpw // (2 * ch)
    mesh = plsc.VectorSubcoreMesh(core_axis_name="c", subcore_axis_name="s")

    @functools.partial(
        pl.kernel, mesh=mesh,
        out_type=jax.ShapeDtypeStruct((_R, _D), jnp.float32),
        scratch_types=[
            pltpu.VMEM((rpw,), jnp.int32),
            pltpu.VMEM((ch, _D), jnp.float32),
            pltpu.VMEM((ch, _D), jnp.float32),
            pltpu.SemaphoreType.DMA,
            pltpu.SemaphoreType.DMA,
            pltpu.SemaphoreType.DMA,
            pltpu.SemaphoreType.DMA,
        ],
    )
    def k(table_hbm, idx_hbm, out_hbm, idx_v, rows0, rows1,
          sg0, sg1, sw0, sw1):
        wid = lax.axis_index("s") * nc + lax.axis_index("c")
        wbase = wid * rpw
        pltpu.sync_copy(idx_hbm.at[pl.ds(wbase, rpw)], idx_v)

        def body(io, carry):
            for b, rows, sg, sw in ((0, rows0, sg0, sw0),
                                    (1, rows1, sg1, sw1)):
                j = 2 * io + b
                base = wbase + j * ch

                @pl.when(io > 0)
                def _():
                    pltpu.make_async_copy(
                        rows, out_hbm.at[pl.ds(base, ch)], sw).wait()

                pltpu.async_copy(
                    table_hbm.at[idx_v.at[pl.ds(j * ch, ch)]], rows, sg)
            for b, rows, sg, sw in ((0, rows0, sg0, sw0),
                                    (1, rows1, sg1, sw1)):
                j = 2 * io + b
                base = wbase + j * ch
                pltpu.make_async_copy(
                    table_hbm.at[idx_v.at[pl.ds(j * ch, ch)]],
                    rows, sg).wait()
                pltpu.async_copy(rows, out_hbm.at[pl.ds(base, ch)], sw)
            return carry

        lax.fori_loop(0, npairs, body, 0)
        for rows, sw in ((rows0, sw0), (rows1, sw1)):
            pltpu.make_async_copy(
                rows, out_hbm.at[pl.ds(wbase, ch)], sw).wait()

    return k(table_f, gidx_f)


def kernel(lf_fea, W1, W2):
    f32 = jnp.float32
    x7 = lf_fea.reshape(_N, _U, _V, _C, _PNH, _PSH, _W)
    yst = x7.transpose(0, 4, 2, 6, 1, 5, 3).reshape(_B, _P, _S, _C)
    ysr = yst.reshape(_B, _P, _D)

    gid8 = pl.pallas_call(
        _k1_dist_topk,
        grid=(_B,),
        in_specs=[
            pl.BlockSpec((None, _P, _D), lambda b: (b, 0, 0)),
        ],
        out_specs=pl.BlockSpec((None, 8, _P), lambda b: (b, 0, 0)),
        out_shape=jax.ShapeDtypeStruct((_B, 8, _P), jnp.int32),
    )(ysr)
    gidx = gid8[:, :_K, :].transpose(0, 2, 1).reshape(_R)

    sel = _sc_gather(ysr.reshape(_B * _P, _D), gidx)

    w1kt = W1.reshape(_C, _K, _C).transpose(1, 2, 0)
    out7 = pl.pallas_call(
        _k35_w1sum,
        grid=(_B * _P // _W,),
        in_specs=[
            pl.BlockSpec((_W, _K, _S, _C), lambda i: (i, 0, 0, 0)),
            pl.BlockSpec((_K, _C, _C), lambda i: (0, 0, 0)),
        ],
        out_specs=pl.BlockSpec(
            (None, None, _W, _U, None, _PSH, _C),
            lambda i: (i // 40, i % 5, 0, 0, (i // 5) % 8, 0, 0)),
        out_shape=jax.ShapeDtypeStruct(
            (_N, _V, _W, _U, _PNH, _PSH, _C), f32),
    )(sel.reshape(_B * _P, _K, _S, _C), w1kt)
    out1_cl = out7.reshape(_N * _V * _W, _U, _H, _C)

    fv = lf_fea.reshape(_N, _U, _V, _C, _H, _W)
    fea_ver_cl = fv.transpose(0, 2, 5, 1, 4, 3).reshape(_N * _V * _W,
                                                        _U, _H, _C)
    w2t = W2.transpose(2, 3, 1, 0)

    nb_blk = 16
    k4out = pl.pallas_call(
        _k4_conv3,
        grid=(_N * _V * _W // nb_blk,),
        in_specs=[
            pl.BlockSpec((nb_blk, _U, _H, _C), lambda i: (i, 0, 0, 0)),
            pl.BlockSpec((nb_blk, _U, _H, _C), lambda i: (i, 0, 0, 0)),
            pl.BlockSpec((3, 3, 2 * _C, _C), lambda i: (0, 0, 0, 0)),
        ],
        out_specs=pl.BlockSpec((nb_blk, _U, _H, _C), lambda i: (i, 0, 0, 0)),
        out_shape=jax.ShapeDtypeStruct((_N * _V * _W, _U, _H, _C), f32),
    )(fea_ver_cl, out1_cl, w2t)

    out = k4out.reshape(_N, _V, _W, _U, _H, _C)
    out = out.transpose(0, 3, 1, 5, 4, 2).reshape(_N * _U * _V, _C, _H, _W)
    return out

# --- scband reference (transcript-rebuilt; emitter-appended) ---
"""Pipeline reference for scband-selective-matching-ver-20280835572217 (READ-ONLY COPY).

The authoritative reference and input builder live on the scoring server;
editing this copy changes nothing except your own understanding.
"""

import jax, jax.numpy as jnp
import numpy as np

AN = 5
C = 64
PL = 8
K = 6
NB = 2
H = 64
W = 64
PNH = H // PL


def setup_inputs(seed: int = 0) -> dict:
    key = jax.random.key(seed)
    k1, k2, k3 = jax.random.split(key, 3)
    lf_fea = jax.random.normal(k1, (NB * AN * AN, C, H, W), dtype=jnp.float32)
    W1 = jax.random.normal(k2, (C, C * K, 1, 1), dtype=jnp.float32) * 0.02
    W2 = jax.random.normal(k3, (C, 2 * C, 3, 3), dtype=jnp.float32) * 0.02
    return {"lf_fea": lf_fea, "W1": W1, "W2": W2}


def _leaky(x):
    return jnp.where(x >= 0, x, 0.1 * x)


def _conv(x, w, pad):
    return jax.lax.conv_general_dilated(
        x, w, window_strides=(1, 1), padding=pad,
        dimension_numbers=("NCHW", "OIHW", "NCHW"))


def _forward(lf_fea, W1, W2):
    u = v = AN
    psh = PL
    pnh = PNH
    n = lf_fea.shape[0] // (u * v)
    _, c, h, w = lf_fea.shape
    # '(N u v) c h w -> (N v w) c u h'
    x6 = lf_fea.reshape(n, u, v, c, h, w)
    fea_ver = x6.transpose(0, 2, 5, 3, 1, 4).reshape(n * v * w, c, u, h)
    # '(N u v) c (pnh psh) w -> (N pnh) (c u psh) (v w)'
    y = lf_fea.reshape(n, u, v, c, pnh, psh, w)
    y = y.transpose(0, 4, 3, 1, 5, 2, 6).reshape(n * pnh, c * u * psh, v * w)
    # euclidean distance between columns of y
    xt = y.transpose(0, 2, 1)  # [B, P, Cd]
    dist = -2.0 * jnp.matmul(xt, y)
    dist = dist + jnp.sum(xt ** 2, axis=-1, keepdims=True)
    dist = dist + jnp.sum(y ** 2, axis=1, keepdims=True)
    # topk smallest, sorted ascending
    _, idx = jax.lax.top_k(-dist, K)  # [B, P, K]
    B, Cd, P = y.shape
    flat_idx = idx.reshape(B, P * K)
    sel = jnp.take_along_axis(y, flat_idx[:, None, :], axis=2)  # [B, Cd, P*K]
    # '(N pnh) (c u psh) (v w k) -> (N v w) (k c) u (pnh psh)'
    sel = sel.reshape(n, pnh, c, u, psh, v, w, K)
    sel = sel.transpose(0, 5, 6, 7, 2, 3, 1, 4).reshape(n * v * w, K * c, u, pnh * psh)
    sel = _leaky(_conv(sel, W1, "VALID"))
    cat = jnp.concatenate([fea_ver, sel], axis=1)
    out = _leaky(_conv(cat, W2, ((1, 1), (1, 1))))
    # '(N v w) c u h -> (N u v) c h w'
    out = out.reshape(n, v, w, c, u, h).transpose(0, 4, 1, 3, 5, 2)
    out = out.reshape(n * u * v, c, h, w)
    return out


def reference(lf_fea, W1, W2):
    return _forward(lf_fea, W1, W2)

if __name__ == "__main__":
    import jax
    _d = setup_inputs()
    print(jax.jit(kernel)(*tuple(_d.values())))

</pallas_src>

<mosaic_0001>
#map = affine_map<(d0, d1) -> (0, 0)>
#map1 = affine_map<(d0, d1) -> (0)>
module attributes {stable_mosaic.version = 14 : i64} {
  func.func @k(%arg0: i32, %arg1: i32, %arg2: memref<5120x2560xf32, #tpu.memory_space<hbm>>, %arg3: memref<30720xi32, #tpu.memory_space<hbm>>, %arg4: memref<30720x2560xf32, #tpu.memory_space<hbm>>, %arg5: memref<960xi32, #tpu.memory_space<vmem>>, %arg6: memref<24x2560xf32, #tpu.memory_space<vmem>>, %arg7: memref<24x2560xf32, #tpu.memory_space<vmem>>, %arg8: memref<!tpu.dma_semaphore, #tpu.memory_space<semaphore_mem>>, %arg9: memref<!tpu.dma_semaphore, #tpu.memory_space<semaphore_mem>>, %arg10: memref<!tpu.dma_semaphore, #tpu.memory_space<semaphore_mem>>, %arg11: memref<!tpu.dma_semaphore, #tpu.memory_space<semaphore_mem>>) attributes {dimension_semantics = [#tpu.dimension_semantics<core_parallel>, #tpu.dimension_semantics<subcore_parallel>], iteration_bounds = array<i64: 2, 16>, scalar_prefetch = 0 : i64, scratch_operands = 7 : i64, tpu.core_type = #tpu.core_type<sc_vector_subcore>, window_params = [{transform_indices = #map}, {transform_indices = #map1}, {transform_indices = #map}]} {
    %mul3A = arith.constant 2 : i32
    %mul3A_0 = arith.muli %arg1, %mul3A : i32
    %add3A = arith.addi %mul3A_0, %arg0 : i32
    %mul3A_1 = arith.constant 960 : i32
    %mul3A_2 = arith.muli %add3A, %mul3A_1 : i32
    "tpu.region"() ({
      %run_scoped3A = tpu.sem_alloc : memref<!tpu.dma_semaphore, #tpu.memory_space<semaphore_mem>>
      %dma_start3A = tpu.memref_slice %arg3[%mul3A_2] : memref<30720xi32, #tpu.memory_space<hbm>> -> memref<960xi32, #tpu.memory_space<hbm>>
      %dma_start3A_15 = tpu.memref_slice %arg3[%mul3A_2] : memref<30720xi32, #tpu.memory_space<hbm>> -> memref<960xi32, #tpu.memory_space<hbm>>
      tpu.enqueue_dma source(%dma_start3A_15 : memref<960xi32, #tpu.memory_space<hbm>>) target(%arg5 : memref<960xi32, #tpu.memory_space<vmem>>) target_semaphore(%run_scoped3A : memref<!tpu.dma_semaphore, #tpu.memory_space<semaphore_mem>>)
      %dma_wait3A_16 = tpu.memref_slice %arg3[%mul3A_2] : memref<30720xi32, #tpu.memory_space<hbm>> -> memref<960xi32, #tpu.memory_space<hbm>>
      %dma_wait3A_17 = tpu.memref_slice %arg3[%mul3A_2] : memref<30720xi32, #tpu.memory_space<hbm>> -> memref<960xi32, #tpu.memory_space<hbm>>
      tpu.wait_dma2 semaphore(%run_scoped3A : memref<!tpu.dma_semaphore, #tpu.memory_space<semaphore_mem>>) src(%dma_wait3A_17 : memref<960xi32, #tpu.memory_space<hbm>>) dst(%arg5 : memref<960xi32, #tpu.memory_space<vmem>>)
      tpu.yield
    }) : () -> ()
    %scan3A = arith.constant 0 : i32
    %scan3A_3 = arith.constant 0 : i32
    %scan3A_4 = arith.constant 20 : i32
    %scan3A_5 = arith.addi %scan3A_3, %scan3A_4 : i32
    %scan3A_6 = arith.constant 1 : i32
    scf.for %scan3A_15 = %scan3A_3 to %scan3A_5 step %scan3A_6  : i32 {
      %mul3A_16 = arith.constant 2 : i32
      %mul3A_17 = arith.muli %mul3A_16, %scan3A_15 : i32
      %add3A_18 = arith.constant 0 : i32
      %add3A_19 = arith.addi %mul3A_17, %add3A_18 : i32
      %mul3A_20 = arith.constant 24 : i32
      %mul3A_21 = arith.muli %add3A_19, %mul3A_20 : i32
      %add3A_22 = arith.addi %mul3A_2, %mul3A_21 : i32
      %gt3A = arith.constant 0 : i32
      %gt3A_23 = arith.cmpi sgt, %scan3A_15, %gt3A : i32
      %convert_element_type3A = arith.extui %gt3A_23 : i1 to i32
      %cond3A = arith.constant 0 : i32
      %cond3A_24 = arith.cmpi ne, %convert_element_type3A, %cond3A : i32
      scf.if %cond3A_24 {
        %dma_wait3A_82 = arith.constant 0 : i32
        %dma_wait3A_83 = tpu.memref_slice %arg4[%add3A_22, %dma_wait3A_82] : memref<30720x2560xf32, #tpu.memory_space<hbm>> -> memref<24x2560xf32, #tpu.memory_space<hbm>>
        %dma_wait3A_84 = arith.constant 0 : i32
        %dma_wait3A_85 = tpu.memref_slice %arg4[%add3A_22, %dma_wait3A_84] : memref<30720x2560xf32, #tpu.memory_space<hbm>> -> memref<24x2560xf32, #tpu.memory_space<hbm>>
        tpu.wait_dma2 semaphore(%arg10 : memref<!tpu.dma_semaphore, #tpu.memory_space<semaphore_mem>>) src(%arg6 : memref<24x2560xf32, #tpu.memory_space<vmem>>) dst(%dma_wait3A_85 : memref<24x2560xf32, #tpu.memory_space<hbm>>)
      } else {
      }
      %mul3A_25 = arith.constant 24 : i32
      %mul3A_26 = arith.muli %add3A_19, %mul3A_25 : i32
      %dma_start3A = tpu.memref_slice %arg5[%mul3A_26] : memref<960xi32, #tpu.memory_space<vmem>> -> memref<24xi32, #tpu.memory_space<vmem>>
      %dma_start3A_27 = arith.constant 0 : i32
      %dma_start3A_28 = arith.constant 0 : i32
      %dma_start3A_29 = tpu.memref_slice %arg2[%dma_start3A_27, %dma_start3A_28] : memref<5120x2560xf32, #tpu.memory_space<hbm>> -> memref<5120x2560xf32, #tpu.memory_space<hbm>>
      tpu.enqueue_indirect_dma source(%dma_start3A_29 : memref<5120x2560xf32, #tpu.memory_space<hbm>>) target(%arg6 : memref<24x2560xf32, #tpu.memory_space<vmem>>) offsets(%dma_start3A : memref<24xi32, #tpu.memory_space<vmem>>) semaphore(%arg8 : memref<!tpu.dma_semaphore, #tpu.memory_space<semaphore_mem>>)
      %mul3A_30 = arith.constant 2 : i32
      %mul3A_31 = arith.muli %mul3A_30, %scan3A_15 : i32
      %add3A_32 = arith.constant 1 : i32
      %add3A_33 = arith.addi %mul3A_31, %add3A_32 : i32
      %mul3A_34 = arith.constant 24 : i32
      %mul3A_35 = arith.muli %add3A_33, %mul3A_34 : i32
      %add3A_36 = arith.addi %mul3A_2, %mul3A_35 : i32
      %gt3A_37 = arith.constant 0 : i32
      %gt3A_38 = arith.cmpi sgt, %scan3A_15, %gt3A_37 : i32
      %convert_element_type3A_39 = arith.extui %gt3A_38 : i1 to i32
      %cond3A_40 = arith.constant 0 : i32
      %cond3A_41 = arith.cmpi ne, %convert_element_type3A_39, %cond3A_40 : i32
      scf.if %cond3A_41 {
        %dma_wait3A_82 = arith.constant 0 : i32
        %dma_wait3A_83 = tpu.memref_slice %arg4[%add3A_36, %dma_wait3A_82] : memref<30720x2560xf32, #tpu.memory_space<hbm>> -> memref<24x2560xf32, #tpu.memory_space<hbm>>
        %dma_wait3A_84 = arith.constant 0 : i32
        %dma_wait3A_85 = tpu.memref_slice %arg4[%add3A_36, %dma_wait3A_84] : memref<30720x2560xf32, #tpu.memory_space<hbm>> -> memref<24x2560xf32, #tpu.memory_space<hbm>>
        tpu.wait_dma2 semaphore(%arg11 : memref<!tpu.dma_semaphore, #tpu.memory_space<semaphore_mem>>) src(%arg7 : memref<24x2560xf32, #tpu.memory_space<vmem>>) dst(%dma_wait3A_85 : memref<24x2560xf32, #tpu.memory_space<hbm>>)
      } else {
      }
      %mul3A_42 = arith.constant 24 : i32
      %mul3A_43 = arith.muli %add3A_33, %mul3A_42 : i32
      %dma_start3A_44 = tpu.memref_slice %arg5[%mul3A_43] : memref<960xi32, #tpu.memory_space<vmem>> -> memref<24xi32, #tpu.memory_space<vmem>>
      %dma_start3A_45 = arith.constant 0 : i32
      %dma_start3A_46 = arith.constant 0 : i32
      %dma_start3A_47 = tpu.memref_slice %arg2[%dma_start3A_45, %dma_start3A_46] : memref<5120x2560xf32, #tpu.memory_space<hbm>> -> memref<5120x2560xf32, #tpu.memory_space<hbm>>
      tpu.enqueue_indirect_dma source(%dma_start3A_47 : memref<5120x2560xf32, #tpu.memory_space<hbm>>) target(%arg7 : memref<24x2560xf32, #tpu.memory_space<vmem>>) offsets(%dma_start3A_44 : memref<24xi32, #tpu.memory_space<vmem>>) semaphore(%arg9 : memref<!tpu.dma_semaphore, #tpu.memory_space<semaphore_mem>>)
      %mul3A_48 = arith.constant 2 : i32
      %mul3A_49 = arith.muli %mul3A_48, %scan3A_15 : i32
      %add3A_50 = arith.constant 0 : i32
      %add3A_51 = arith.addi %mul3A_49, %add3A_50 : i32
      %mul3A_52 = arith.constant 24 : i32
      %mul3A_53 = arith.muli %add3A_51, %mul3A_52 : i32
      %add3A_54 = arith.addi %mul3A_2, %mul3A_53 : i32
      %mul3A_55 = arith.constant 24 : i32
      %mul3A_56 = arith.muli %add3A_51, %mul3A_55 : i32
      %dma_wait3A_57 = tpu.memref_slice %arg5[%mul3A_56] : memref<960xi32, #tpu.memory_space<vmem>> -> memref<24xi32, #tpu.memory_space<vmem>>
      %dma_wait3A_58 = arith.constant 0 : i32
      %dma_wait3A_59 = arith.constant 0 : i32
      %dma_wait3A_60 = tpu.memref_slice %arg2[%dma_wait3A_58, %dma_wait3A_59] : memref<5120x2560xf32, #tpu.memory_space<hbm>> -> memref<5120x2560xf32, #tpu.memory_space<hbm>>
      tpu.wait_indirect_dma semaphore(%arg8 : memref<!tpu.dma_semaphore, #tpu.memory_space<semaphore_mem>>) src(%dma_wait3A_60 : memref<5120x2560xf32, #tpu.memory_space<hbm>>) dst(%arg6 : memref<24x2560xf32, #tpu.memory_space<vmem>>)
      %dma_start3A_61 = arith.constant 0 : i32
      %dma_start3A_62 = tpu.memref_slice %arg4[%add3A_54, %dma_start3A_61] : memref<30720x2560xf32, #tpu.memory_space<hbm>> -> memref<24x2560xf32, #tpu.memory_space<hbm>>
      %dma_start3A_63 = arith.constant 0 : i32
      %dma_start3A_64 = tpu.memref_slice %arg4[%add3A_54, %dma_start3A_63] : memref<30720x2560xf32, #tpu.memory_space<hbm>> -> memref<24x2560xf32, #tpu.memory_space<hbm>>
      tpu.enqueue_dma source(%arg6 : memref<24x2560xf32, #tpu.memory_space<vmem>>) target(%dma_start3A_64 : memref<24x2560xf32, #tpu.memory_space<hbm>>) target_semaphore(%arg10 : memref<!tpu.dma_semaphore, #tpu.memory_space<semaphore_mem>>)
      %mul3A_65 = arith.constant 2 : i32
      %mul3A_66 = arith.muli %mul3A_65, %scan3A_15 : i32
      %add3A_67 = arith.constant 1 : i32
      %add3A_68 = arith.addi %mul3A_66, %add3A_67 : i32
      %mul3A_69 = arith.constant 24 : i32
      %mul3A_70 = arith.muli %add3A_68, %mul3A_69 : i32
      %add3A_71 = arith.addi %mul3A_2, %mul3A_70 : i32
      %mul3A_72 = arith.constant 24 : i32
      %mul3A_73 = arith.muli %add3A_68, %mul3A_72 : i32
      %dma_wait3A_74 = tpu.memref_slice %arg5[%mul3A_73] : memref<960xi32, #tpu.memory_space<vmem>> -> memref<24xi32, #tpu.memory_space<vmem>>
      %dma_wait3A_75 = arith.constant 0 : i32
      %dma_wait3A_76 = arith.constant 0 : i32
      %dma_wait3A_77 = tpu.memref_slice %arg2[%dma_wait3A_75, %dma_wait3A_76] : memref<5120x2560xf32, #tpu.memory_space<hbm>> -> memref<5120x2560xf32, #tpu.memory_space<hbm>>
      tpu.wait_indirect_dma semaphore(%arg9 : memref<!tpu.dma_semaphore, #tpu.memory_space<semaphore_mem>>) src(%dma_wait3A_77 : memref<5120x2560xf32, #tpu.memory_space<hbm>>) dst(%arg7 : memref<24x2560xf32, #tpu.memory_space<vmem>>)
      %dma_start3A_78 = arith.constant 0 : i32
      %dma_start3A_79 = tpu.memref_slice %arg4[%add3A_71, %dma_start3A_78] : memref<30720x2560xf32, #tpu.memory_space<hbm>> -> memref<24x2560xf32, #tpu.memory_space<hbm>>
      %dma_start3A_80 = arith.constant 0 : i32
      %dma_start3A_81 = tpu.memref_slice %arg4[%add3A_71, %dma_start3A_80] : memref<30720x2560xf32, #tpu.memory_space<hbm>> -> memref<24x2560xf32, #tpu.memory_space<hbm>>
      tpu.enqueue_dma source(%arg7 : memref<24x2560xf32, #tpu.memory_space<vmem>>) target(%dma_start3A_81 : memref<24x2560xf32, #tpu.memory_space<hbm>>) target_semaphore(%arg11 : memref<!tpu.dma_semaphore, #tpu.memory_space<semaphore_mem>>)
    }
    %scan3A_7 = arith.constant 20 : i32
    %dma_wait3A = arith.constant 0 : i32
    %dma_wait3A_8 = tpu.memref_slice %arg4[%mul3A_2, %dma_wait3A] : memref<30720x2560xf32, #tpu.memory_space<hbm>> -> memref<24x2560xf32, #tpu.memory_space<hbm>>
    %dma_wait3A_9 = arith.constant 0 : i32
    %dma_wait3A_10 = tpu.memref_slice %arg4[%mul3A_2, %dma_wait3A_9] : memref<30720x2560xf32, #tpu.memory_space<hbm>> -> memref<24x2560xf32, #tpu.memory_space<hbm>>
    tpu.wait_dma2 semaphore(%arg10 : memref<!tpu.dma_semaphore, #tpu.memory_space<semaphore_mem>>) src(%arg6 : memref<24x2560xf32, #tpu.memory_space<vmem>>) dst(%dma_wait3A_10 : memref<24x2560xf32, #tpu.memory_space<hbm>>)
    %dma_wait3A_11 = arith.constant 0 : i32
    %dma_wait3A_12 = tpu.memref_slice %arg4[%mul3A_2, %dma_wait3A_11] : memref<30720x2560xf32, #tpu.memory_space<hbm>> -> memref<24x2560xf32, #tpu.memory_space<hbm>>
    %dma_wait3A_13 = arith.constant 0 : i32
    %dma_wait3A_14 = tpu.memref_slice %arg4[%mul3A_2, %dma_wait3A_13] : memref<30720x2560xf32, #tpu.memory_space<hbm>> -> memref<24x2560xf32, #tpu.memory_space<hbm>>
    tpu.wait_dma2 semaphore(%arg11 : memref<!tpu.dma_semaphore, #tpu.memory_space<semaphore_mem>>) src(%arg7 : memref<24x2560xf32, #tpu.memory_space<vmem>>) dst(%dma_wait3A_14 : memref<24x2560xf32, #tpu.memory_space<hbm>>)
    return
  }
}

module attributes {stable_mosaic.version = 14 : i64} {
  func.func @_k1_dist_topk(%arg0: i32, %arg1: memref<1x320x2560xf32, #tpu.memory_space<vmem>>, %arg2: memref<1x8x320xi32, #tpu.memory_space<vmem>>) attributes {dimension_semantics = [#tpu.dimension_semantics<arbitrary>], iteration_bounds = array<i64: 16>, scalar_prefetch = 0 : i64, scratch_operands = 0 : i64, tpu.core_type = #tpu.core_type<tc>, window_params = [{transform_indices = @transform_0, window_bounds = array<i64: 1, 320, 2560>}, {transform_indices = @transform_1, window_bounds = array<i64: 1, 8, 320>}]} {
    %get3A = arith.constant 0 : index
    %get3A_0 = arith.constant 0 : index
    %get3A_1 = arith.constant 0 : index
    %get3A_2 = vector.load %arg1[%get3A, %get3A_0, %get3A_1] : memref<1x320x2560xf32, #tpu.memory_space<vmem>>, vector<1x320x2560xf32>
    %get3A_3 = vector.shape_cast %get3A_2 : vector<1x320x2560xf32> to vector<320x2560xf32>
    %dot_general3A = arith.constant dense<0.000000e+00> : vector<320x320xf32>
    %dot_general3A_4 = tpu.matmul %get3A_3, %get3A_3, %dot_general3A {dimension_numbers = #tpu.dot_dimension_numbers<[1], [1], [0], [0], [0, 0, 1, 0], [], []>, transpose_lhs_hint = false} : vector<320x2560xf32>, vector<320x2560xf32>, vector<320x320xf32> -> vector<320x320xf32>
    %mul3A = arith.mulf %get3A_3, %get3A_3 : vector<320x2560xf32>
    %reduce_sum3A = arith.constant dense<0.000000e+00> : vector<320xf32>
    %reduce_sum3A_5 = vector.multi_reduction <add>, %mul3A, %reduce_sum3A [1] : vector<320x2560xf32> to vector<320xf32>
    %broadcast_in_dim3A = vector.shape_cast %reduce_sum3A_5 : vector<320xf32> to vector<320x1xf32>
    %broadcast_in_dim3A_6 = vector.shape_cast %reduce_sum3A_5 : vector<320xf32> to vector<1x320xf32>
    %add3A = vector.broadcast %broadcast_in_dim3A : vector<320x1xf32> to vector<320x320xf32>
    %add3A_7 = vector.broadcast %broadcast_in_dim3A_6 : vector<1x320xf32> to vector<320x320xf32>
    %add3A_8 = arith.addf %add3A, %add3A_7 : vector<320x320xf32>
    %mul3A_9 = arith.constant 2.000000e+00 : f32
    %mul3A_10 = vector.broadcast %mul3A_9 : f32 to vector<320x320xf32>
    %mul3A_11 = arith.mulf %mul3A_10, %dot_general3A_4 : vector<320x320xf32>
    %sub3A = arith.subf %add3A_8, %mul3A_11 : vector<320x320xf32>
    %iota3A = tpu.iota {dimensions = array<i32: 1>} : vector<320x320xi32>
    %reduce_min3A = arith.constant dense<0x7F800000> : vector<320xf32>
    %reduce_min3A_12 = vector.multi_reduction <minimumf>, %sub3A, %reduce_min3A [1] : vector<320x320xf32> to vector<320xf32>
    %broadcast_in_dim3A_13 = vector.shape_cast %reduce_min3A_12 : vector<320xf32> to vector<320x1xf32>
    %le3A = vector.broadcast %broadcast_in_dim3A_13 : vector<320x1xf32> to vector<320x320xf32>
    %le3A_14 = arith.cmpf ole, %sub3A, %le3A : vector<320x320xf32>
    %jit3A = arith.constant 1073741824 : i32
    %broadcast_in_dim3A_15 = vector.broadcast %jit3A : i32 to vector<320x320xi32>
    %select_n3A = arith.select %le3A_14, %iota3A, %broadcast_in_dim3A_15 : vector<320x320xi1>, vector<320x320xi32>
    %reduce_min3A_16 = arith.constant dense<2147483647> : vector<320xi32>
    %reduce_min3A_17 = vector.multi_reduction <minsi>, %select_n3A, %reduce_min3A_16 [1] : vector<320x320xi32> to vector<320xi32>
    %mul3A_18 = arith.constant 320 : i32
    %mul3A_19 = arith.muli %arg0, %mul3A_18 : i32
    %add3A_20 = vector.broadcast %mul3A_19 : i32 to vector<320xi32>
    %add3A_21 = arith.addi %add3A_20, %reduce_min3A_17 : vector<320xi32>
    %broadcast_in_dim3A_22 = vector.shape_cast %reduce_min3A_17 : vector<320xi32> to vector<320x1xi32>
    %eq3A = vector.broadcast %broadcast_in_dim3A_22 : vector<320x1xi32> to vector<320x320xi32>
    %eq3A_23 = arith.cmpi eq, %iota3A, %eq3A : vector<320x320xi32>
    %jit3A_24 = arith.constant 0x7F800000 : f32
    %broadcast_in_dim3A_25 = vector.broadcast %jit3A_24 : f32 to vector<320x320xf32>
    %select_n3A_26 = arith.select %eq3A_23, %broadcast_in_dim3A_25, %sub3A : vector<320x320xi1>, vector<320x320xf32>
    %reduce_min3A_27 = arith.constant dense<0x7F800000> : vector<320xf32>
    %reduce_min3A_28 = vector.multi_reduction <minimumf>, %select_n3A_26, %reduce_min3A_27 [1] : vector<320x320xf32> to vector<320xf32>
    %broadcast_in_dim3A_29 = vector.shape_cast %reduce_min3A_28 : vector<320xf32> to vector<320x1xf32>
    %le3A_30 = vector.broadcast %broadcast_in_dim3A_29 : vector<320x1xf32> to vector<320x320xf32>
    %le3A_31 = arith.cmpf ole, %select_n3A_26, %le3A_30 : vector<320x320xf32>
    %jit3A_32 = arith.constant 1073741824 : i32
    %broadcast_in_dim3A_33 = vector.broadcast %jit3A_32 : i32 to vector<320x320xi32>
    %select_n3A_34 = arith.select %le3A_31, %iota3A, %broadcast_in_dim3A_33 : vector<320x320xi1>, vector<320x320xi32>
    %reduce_min3A_35 = arith.constant dense<2147483647> : vector<320xi32>
    %reduce_min3A_36 = vector.multi_reduction <minsi>, %select_n3A_34, %reduce_min3A_35 [1] : vector<320x320xi32> to vector<320xi32>
    %mul3A_37 = arith.constant 320 : i32
    %mul3A_38 = arith.muli %arg0, %mul3A_37 : i32
    %add3A_39 = vector.broadcast %mul3A_38 : i32 to vector<320xi32>
    %add3A_40 = arith.addi %add3A_39, %reduce_min3A_36 : vector<320xi32>
    %broadcast_in_dim3A_41 = vector.shape_cast %reduce_min3A_36 : vector<320xi32> to vector<320x1xi32>
    %eq3A_42 = vector.broadcast %broadcast_in_dim3A_41 : vector<320x1xi32> to vector<320x320xi32>
    %eq3A_43 = arith.cmpi eq, %iota3A, %eq3A_42 : vector<320x320xi32>
    %jit3A_44 = arith.constant 0x7F800000 : f32
    %broadcast_in_dim3A_45 = vector.broadcast %jit3A_44 : f32 to vector<320x320xf32>
    %select_n3A_46 = arith.select %eq3A_43, %broadcast_in_dim3A_45, %select_n3A_26 : vector<320x320xi1>, vector<320x320xf32>
    %reduce_min3A_47 = arith.constant dense<0x7F800000> : vector<320xf32>
    %reduce_min3A_48 = vector.multi_reduction <minimumf>, %select_n3A_46, %reduce_min3A_47 [1] : vector<320x320xf32> to vector<320xf32>
    %broadcast_in_dim3A_49 = vector.shape_cast %reduce_min3A_48 : vector<320xf32> to vector<320x1xf32>
    %le3A_50 = vector.broadcast %broadcast_in_dim3A_49 : vector<320x1xf32> to vector<320x320xf32>
    %le3A_51 = arith.cmpf ole, %select_n3A_46, %le3A_50 : vector<320x320xf32>
    %jit3A_52 = arith.constant 1073741824 : i32
    %broadcast_in_dim3A_53 = vector.broadcast %jit3A_52 : i32 to vector<320x320xi32>
    %select_n3A_54 = arith.select %le3A_51, %iota3A, %broadcast_in_dim3A_53 : vector<320x320xi1>, vector<320x320xi32>
    %reduce_min3A_55 = arith.constant dense<2147483647> : vector<320xi32>
    %reduce_min3A_56 = vector.multi_reduction <minsi>, %select_n3A_54, %reduce_min3A_55 [1] : vector<320x320xi32> to vector<320xi32>
    %mul3A_57 = arith.constant 320 : i32
    %mul3A_58 = arith.muli %arg0, %mul3A_57 : i32
    %add3A_59 = vector.broadcast %mul3A_58 : i32 to vector<320xi32>
    %add3A_60 = arith.addi %add3A_59, %reduce_min3A_56 : vector<320xi32>
    %broadcast_in_dim3A_61 = vector.shape_cast %reduce_min3A_56 : vector<320xi32> to vector<320x1xi32>
    %eq3A_62 = vector.broadcast %broadcast_in_dim3A_61 : vector<320x1xi32> to vector<320x320xi32>
    %eq3A_63 = arith.cmpi eq, %iota3A, %eq3A_62 : vector<320x320xi32>
    %jit3A_64 = arith.constant 0x7F800000 : f32
    %broadcast_in_dim3A_65 = vector.broadcast %jit3A_64 : f32 to vector<320x320xf32>
    %select_n3A_66 = arith.select %eq3A_63, %broadcast_in_dim3A_65, %select_n3A_46 : vector<320x320xi1>, vector<320x320xf32>
    %reduce_min3A_67 = arith.constant dense<0x7F800000> : vector<320xf32>
    %reduce_min3A_68 = vector.multi_reduction <minimumf>, %select_n3A_66, %reduce_min3A_67 [1] : vector<320x320xf32> to vector<320xf32>
    %broadcast_in_dim3A_69 = vector.shape_cast %reduce_min3A_68 : vector<320xf32> to vector<320x1xf32>
    %le3A_70 = vector.broadcast %broadcast_in_dim3A_69 : vector<320x1xf32> to vector<320x320xf32>
    %le3A_71 = arith.cmpf ole, %select_n3A_66, %le3A_70 : vector<320x320xf32>
    %jit3A_72 = arith.constant 1073741824 : i32
    %broadcast_in_dim3A_73 = vector.broadcast %jit3A_72 : i32 to vector<320x320xi32>
    %select_n3A_74 = arith.select %le3A_71, %iota3A, %broadcast_in_dim3A_73 : vector<320x320xi1>, vector<320x320xi32>
    %reduce_min3A_75 = arith.constant dense<2147483647> : vector<320xi32>
    %reduce_min3A_76 = vector.multi_reduction <minsi>, %select_n3A_74, %reduce_min3A_75 [1] : vector<320x320xi32> to vector<320xi32>
    %mul3A_77 = arith.constant 320 : i32
    %mul3A_78 = arith.muli %arg0, %mul3A_77 : i32
    %add3A_79 = vector.broadcast %mul3A_78 : i32 to vector<320xi32>
    %add3A_80 = arith.addi %add3A_79, %reduce_min3A_76 : vector<320xi32>
    %broadcast_in_dim3A_81 = vector.shape_cast %reduce_min3A_76 : vector<320xi32> to vector<320x1xi32>
    %eq3A_82 = vector.broadcast %broadcast_in_dim3A_81 : vector<320x1xi32> to vector<320x320xi32>
    %eq3A_83 = arith.cmpi eq, %iota3A, %eq3A_82 : vector<320x320xi32>
    %jit3A_84 = arith.constant 0x7F800000 : f32
    %broadcast_in_dim3A_85 = vector.broadcast %jit3A_84 : f32 to vector<320x320xf32>
    %select_n3A_86 = arith.select %eq3A_83, %broadcast_in_dim3A_85, %select_n3A_66 : vector<320x320xi1>, vector<320x320xf32>
    %reduce_min3A_87 = arith.constant dense<0x7F800000> : vector<320xf32>
    %reduce_min3A_88 = vector.multi_reduction <minimumf>, %select_n3A_86, %reduce_min3A_87 [1] : vector<320x320xf32> to vector<320xf32>
    %broadcast_in_dim3A_89 = vector.shape_cast %reduce_min3A_88 : vector<320xf32> to vector<320x1xf32>
    %le3A_90 = vector.broadcast %broadcast_in_dim3A_89 : vector<320x1xf32> to vector<320x320xf32>
    %le3A_91 = arith.cmpf ole, %select_n3A_86, %le3A_90 : vector<320x320xf32>
    %jit3A_92 = arith.constant 1073741824 : i32
    %broadcast_in_dim3A_93 = vector.broadcast %jit3A_92 : i32 to vector<320x320xi32>
    %select_n3A_94 = arith.select %le3A_91, %iota3A, %broadcast_in_dim3A_93 : vector<320x320xi1>, vector<320x320xi32>
    %reduce_min3A_95 = arith.constant dense<2147483647> : vector<320xi32>
    %reduce_min3A_96 = vector.multi_reduction <minsi>, %select_n3A_94, %reduce_min3A_95 [1] : vector<320x320xi32> to vector<320xi32>
    %mul3A_97 = arith.constant 320 : i32
    %mul3A_98 = arith.muli %arg0, %mul3A_97 : i32
    %add3A_99 = vector.broadcast %mul3A_98 : i32 to vector<320xi32>
    %add3A_100 = arith.addi %add3A_99, %reduce_min3A_96 : vector<320xi32>
    %broadcast_in_dim3A_101 = vector.shape_cast %reduce_min3A_96 : vector<320xi32> to vector<320x1xi32>
    %eq3A_102 = vector.broadcast %broadcast_in_dim3A_101 : vector<320x1xi32> to vector<320x320xi32>
    %eq3A_103 = arith.cmpi eq, %iota3A, %eq3A_102 : vector<320x320xi32>
    %jit3A_104 = arith.constant 0x7F800000 : f32
    %broadcast_in_dim3A_105 = vector.broadcast %jit3A_104 : f32 to vector<320x320xf32>
    %select_n3A_106 = arith.select %eq3A_103, %broadcast_in_dim3A_105, %select_n3A_86 : vector<320x320xi1>, vector<320x320xf32>
    %reduce_min3A_107 = arith.constant dense<0x7F800000> : vector<320xf32>
    %reduce_min3A_108 = vector.multi_reduction <minimumf>, %select_n3A_106, %reduce_min3A_107 [1] : vector<320x320xf32> to vector<320xf32>
    %broadcast_in_dim3A_109 = vector.shape_cast %reduce_min3A_108 : vector<320xf32> to vector<320x1xf32>
    %le3A_110 = vector.broadcast %broadcast_in_dim3A_109 : vector<320x1xf32> to vector<320x320xf32>
    %le3A_111 = arith.cmpf ole, %select_n3A_106, %le3A_110 : vector<320x320xf32>
    %jit3A_112 = arith.constant 1073741824 : i32
    %broadcast_in_dim3A_113 = vector.broadcast %jit3A_112 : i32 to vector<320x320xi32>
    %select_n3A_114 = arith.select %le3A_111, %iota3A, %broadcast_in_dim3A_113 : vector<320x320xi1>, vector<320x320xi32>
    %reduce_min3A_115 = arith.constant dense<2147483647> : vector<320xi32>
    %reduce_min3A_116 = vector.multi_reduction <minsi>, %select_n3A_114, %reduce_min3A_115 [1] : vector<320x320xi32> to vector<320xi32>
    %mul3A_117 = arith.constant 320 : i32
    %mul3A_118 = arith.muli %arg0, %mul3A_117 : i32
    %add3A_119 = vector.broadcast %mul3A_118 : i32 to vector<320xi32>
    %add3A_120 = arith.addi %add3A_119, %reduce_min3A_116 : vector<320xi32>
    %stack3A = vector.shape_cast %add3A_21 : vector<320xi32> to vector<1x320xi32>
    %stack3A_121 = vector.shape_cast %add3A_40 : vector<320xi32> to vector<1x320xi32>
    %stack3A_122 = vector.shape_cast %add3A_60 : vector<320xi32> to vector<1x320xi32>
    %stack3A_123 = vector.shape_cast %add3A_80 : vector<320xi32> to vector<1x320xi32>
    %stack3A_124 = vector.shape_cast %add3A_100 : vector<320xi32> to vector<1x320xi32>
    %stack3A_125 = vector.shape_cast %add3A_120 : vector<320xi32> to vector<1x320xi32>
    %stack3A_126 = vector.shape_cast %add3A_21 : vector<320xi32> to vector<1x320xi32>
    %stack3A_127 = vector.shape_cast %add3A_21 : vector<320xi32> to vector<1x320xi32>
    %stack3A_128 = tpu.concatenate %stack3A, %stack3A_121, %stack3A_122, %stack3A_123, %stack3A_124, %stack3A_125, %stack3A_126, %stack3A_127 in 0 : vector<1x320xi32>, vector<1x320xi32>, vector<1x320xi32>, vector<1x320xi32>, vector<1x320xi32>, vector<1x320xi32>, vector<1x320xi32>, vector<1x320xi32> -> vector<8x320xi32>
    %swap3A = arith.constant 0 : index
    %swap3A_129 = arith.constant 0 : index
    %swap3A_130 = arith.constant 0 : index
    %swap3A_131 = vector.load %arg2[%swap3A, %swap3A_129, %swap3A_130] : memref<1x8x320xi32, #tpu.memory_space<vmem>>, vector<1x8x320xi32>
    %swap3A_132 = vector.shape_cast %swap3A_131 : vector<1x8x320xi32> to vector<8x320xi32>
    %swap3A_133 = vector.shape_cast %stack3A_128 : vector<8x320xi32> to vector<1x8x320xi32>
    tpu.vector_store %arg2[%swap3A, %swap3A_129, %swap3A_130], %swap3A_133 {strides = array<i32>} : memref<1x8x320xi32, #tpu.memory_space<vmem>>, vector<1x8x320xi32>,
    return
  }
  func.func @transform_0(%arg0: i32) -> (i32, i32, i32) {
    %c0_i32 = arith.constant 0 : i32
    %c0_i32_0 = arith.constant 0 : i32
    %c0_i32_1 = arith.constant 0 : i32
    return %arg0, %c0_i32, %c0_i32_0 : i32, i32, i32
  }
  func.func @transform_1(%arg0: i32) -> (i32, i32, i32) {
    %c0_i32 = arith.constant 0 : i32
    %c0_i32_0 = arith.constant 0 : i32
    %c0_i32_1 = arith.constant 0 : i32
    return %arg0, %c0_i32, %c0_i32_0 : i32, i32, i32
  }
}

module attributes {stable_mosaic.version = 14 : i64} {
  func.func @_k35_w1sum(%arg0: i32, %arg1: memref<64x6x40x64xf32, #tpu.memory_space<vmem>>, %arg2: memref<6x64x64xf32, #tpu.memory_space<vmem>>, %arg3: memref<1x1x64x5x1x8x64xf32, #tpu.memory_space<vmem>>) attributes {dimension_semantics = [#tpu.dimension_semantics<arbitrary>], iteration_bounds = array<i64: 80>, scalar_prefetch = 0 : i64, scratch_operands = 0 : i64, tpu.core_type = #tpu.core_type<tc>, window_params = [{transform_indices = @transform_0, window_bounds = array<i64: 64, 6, 40, 64>}, {pipeline_mode = #tpu.pipeline_mode<synchronous>, transform_indices = @transform_1, window_bounds = array<i64: 6, 64, 64>}, {transform_indices = @transform_2, window_bounds = array<i64: 1, 1, 64, 5, 1, 8, 64>}]} {
    %broadcast_in_dim3A = arith.constant 0.000000e+00 : f32
    %broadcast_in_dim3A_0 = vector.broadcast %broadcast_in_dim3A : f32 to vector<2560x64xf32>
    %get3A = arith.constant 0 : index
    %get3A_1 = arith.constant 0 : index
    %get3A_2 = arith.constant 0 : index
    %get3A_3 = arith.constant 0 : index
    %get3A_4 = vector.load %arg1[%get3A, %get3A_1, %get3A_2, %get3A_3] : memref<64x6x40x64xf32, #tpu.memory_space<vmem>>, vector<64x1x40x64xf32>
    %get3A_5 = vector.shape_cast %get3A_4 : vector<64x1x40x64xf32> to vector<64x40x64xf32>
    %reshape3A = vector.shape_cast %get3A_5 : vector<64x40x64xf32> to vector<2560x64xf32>
    %get3A_6 = arith.constant 0 : index
    %get3A_7 = arith.constant 0 : index
    %get3A_8 = arith.constant 0 : index
    %get3A_9 = vector.load %arg2[%get3A_6, %get3A_7, %get3A_8] : memref<6x64x64xf32, #tpu.memory_space<vmem>>, vector<1x64x64xf32>
    %get3A_10 = vector.shape_cast %get3A_9 : vector<1x64x64xf32> to vector<64x64xf32>
    %dot_general3A = arith.constant dense<0.000000e+00> : vector<2560x64xf32>
    %dot_general3A_11 = tpu.matmul %reshape3A, %get3A_10, %dot_general3A {dimension_numbers = #tpu.dot_dimension_numbers<[1], [0], [0], [1], [0, 0, 1, 1], [], []>, transpose_lhs_hint = false} : vector<2560x64xf32>, vector<64x64xf32>, vector<2560x64xf32> -> vector<2560x64xf32>
    %add3A = arith.addf %broadcast_in_dim3A_0, %dot_general3A_11 : vector<2560x64xf32>
    %get3A_12 = arith.constant 0 : index
    %get3A_13 = arith.constant 1 : index
    %get3A_14 = arith.constant 0 : index
    %get3A_15 = arith.constant 0 : index
    %get3A_16 = vector.load %arg1[%get3A_12, %get3A_13, %get3A_14, %get3A_15] : memref<64x6x40x64xf32, #tpu.memory_space<vmem>>, vector<64x1x40x64xf32>
    %get3A_17 = vector.shape_cast %get3A_16 : vector<64x1x40x64xf32> to vector<64x40x64xf32>
    %reshape3A_18 = vector.shape_cast %get3A_17 : vector<64x40x64xf32> to vector<2560x64xf32>
    %get3A_19 = arith.constant 1 : index
    %get3A_20 = arith.constant 0 : index
    %get3A_21 = arith.constant 0 : index
    %get3A_22 = vector.load %arg2[%get3A_19, %get3A_20, %get3A_21] : memref<6x64x64xf32, #tpu.memory_space<vmem>>, vector<1x64x64xf32>
    %get3A_23 = vector.shape_cast %get3A_22 : vector<1x64x64xf32> to vector<64x64xf32>
    %dot_general3A_24 = arith.constant dense<0.000000e+00> : vector<2560x64xf32>
    %dot_general3A_25 = tpu.matmul %reshape3A_18, %get3A_23, %dot_general3A_24 {dimension_numbers = #tpu.dot_dimension_numbers<[1], [0], [0], [1], [0, 0, 1, 1], [], []>, transpose_lhs_hint = false} : vector<2560x64xf32>, vector<64x64xf32>, vector<2560x64xf32> -> vector<2560x64xf32>
    %add3A_26 = arith.addf %add3A, %dot_general3A_25 : vector<2560x64xf32>
    %get3A_27 = arith.constant 0 : index
    %get3A_28 = arith.constant 2 : index
    %get3A_29 = arith.constant 0 : index
    %get3A_30 = arith.constant 0 : index
    %get3A_31 = vector.load %arg1[%get3A_27, %get3A_28, %get3A_29, %get3A_30] : memref<64x6x40x64xf32, #tpu.memory_space<vmem>>, vector<64x1x40x64xf32>
    %get3A_32 = vector.shape_cast %get3A_31 : vector<64x1x40x64xf32> to vector<64x40x64xf32>
    %reshape3A_33 = vector.shape_cast %get3A_32 : vector<64x40x64xf32> to vector<2560x64xf32>
    %get3A_34 = arith.constant 2 : index
    %get3A_35 = arith.constant 0 : index
    %get3A_36 = arith.constant 0 : index
    %get3A_37 = vector.load %arg2[%get3A_34, %get3A_35, %get3A_36] : memref<6x64x64xf32, #tpu.memory_space<vmem>>, vector<1x64x64xf32>
    %get3A_38 = vector.shape_cast %get3A_37 : vector<1x64x64xf32> to vector<64x64xf32>
    %dot_general3A_39 = arith.constant dense<0.000000e+00> : vector<2560x64xf32>
    %dot_general3A_40 = tpu.matmul %reshape3A_33, %get3A_38, %dot_general3A_39 {dimension_numbers = #tpu.dot_dimension_numbers<[1], [0], [0], [1], [0, 0, 1, 1], [], []>, transpose_lhs_hint = false} : vector<2560x64xf32>, vector<64x64xf32>, vector<2560x64xf32> -> vector<2560x64xf32>
    %add3A_41 = arith.addf %add3A_26, %dot_general3A_40 : vector<2560x64xf32>
    %get3A_42 = arith.constant 0 : index
    %get3A_43 = arith.constant 3 : index
    %get3A_44 = arith.constant 0 : index
    %get3A_45 = arith.constant 0 : index
    %get3A_46 = vector.load %arg1[%get3A_42, %get3A_43, %get3A_44, %get3A_45] : memref<64x6x40x64xf32, #tpu.memory_space<vmem>>, vector<64x1x40x64xf32>
    %get3A_47 = vector.shape_cast %get3A_46 : vector<64x1x40x64xf32> to vector<64x40x64xf32>
    %reshape3A_48 = vector.shape_cast %get3A_47 : vector<64x40x64xf32> to vector<2560x64xf32>
    %get3A_49 = arith.constant 3 : index
    %get3A_50 = arith.constant 0 : index
    %get3A_51 = arith.constant 0 : index
    %get3A_52 = vector.load %arg2[%get3A_49, %get3A_50, %get3A_51] : memref<6x64x64xf32, #tpu.memory_space<vmem>>, vector<1x64x64xf32>
    %get3A_53 = vector.shape_cast %get3A_52 : vector<1x64x64xf32> to vector<64x64xf32>
    %dot_general3A_54 = arith.constant dense<0.000000e+00> : vector<2560x64xf32>
    %dot_general3A_55 = tpu.matmul %reshape3A_48, %get3A_53, %dot_general3A_54 {dimension_numbers = #tpu.dot_dimension_numbers<[1], [0], [0], [1], [0, 0, 1, 1], [], []>, transpose_lhs_hint = false} : vector<2560x64xf32>, vector<64x64xf32>, vector<2560x64xf32> -> vector<2560x64xf32>
    %add3A_56 = arith.addf %add3A_41, %dot_general3A_55 : vector<2560x64xf32>
    %get3A_57 = arith.constant 0 : index
    %get3A_58 = arith.constant 4 : index
    %get3A_59 = arith.constant 0 : index
    %get3A_60 = arith.constant 0 : index
    %get3A_61 = vector.load %arg1[%get3A_57, %get3A_58, %get3A_59, %get3A_60] : memref<64x6x40x64xf32, #tpu.memory_space<vmem>>, vector<64x1x40x64xf32>
    %get3A_62 = vector.shape_cast %get3A_61 : vector<64x1x40x64xf32> to vector<64x40x64xf32>
    %reshape3A_63 = vector.shape_cast %get3A_62 : vector<64x40x64xf32> to vector<2560x64xf32>
    %get3A_64 = arith.constant 4 : index
    %get3A_65 = arith.constant 0 : index
    %get3A_66 = arith.constant 0 : index
    %get3A_67 = vector.load %arg2[%get3A_64, %get3A_65, %get3A_66] : memref<6x64x64xf32, #tpu.memory_space<vmem>>, vector<1x64x64xf32>
    %get3A_68 = vector.shape_cast %get3A_67 : vector<1x64x64xf32> to vector<64x64xf32>
    %dot_general3A_69 = arith.constant dense<0.000000e+00> : vector<2560x64xf32>
    %dot_general3A_70 = tpu.matmul %reshape3A_63, %get3A_68, %dot_general3A_69 {dimension_numbers = #tpu.dot_dimension_numbers<[1], [0], [0], [1], [0, 0, 1, 1], [], []>, transpose_lhs_hint = false} : vector<2560x64xf32>, vector<64x64xf32>, vector<2560x64xf32> -> vector<2560x64xf32>
    %add3A_71 = arith.addf %add3A_56, %dot_general3A_70 : vector<2560x64xf32>
    %get3A_72 = arith.constant 0 : index
    %get3A_73 = arith.constant 5 : index
    %get3A_74 = arith.constant 0 : index
    %get3A_75 = arith.constant 0 : index
    %get3A_76 = vector.load %arg1[%get3A_72, %get3A_73, %get3A_74, %get3A_75] : memref<64x6x40x64xf32, #tpu.memory_space<vmem>>, vector<64x1x40x64xf32>
    %get3A_77 = vector.shape_cast %get3A_76 : vector<64x1x40x64xf32> to vector<64x40x64xf32>
    %reshape3A_78 = vector.shape_cast %get3A_77 : vector<64x40x64xf32> to vector<2560x64xf32>
    %get3A_79 = arith.constant 5 : index
    %get3A_80 = arith.constant 0 : index
    %get3A_81 = arith.constant 0 : index
    %get3A_82 = vector.load %arg2[%get3A_79, %get3A_80, %get3A_81] : memref<6x64x64xf32, #tpu.memory_space<vmem>>, vector<1x64x64xf32>
    %get3A_83 = vector.shape_cast %get3A_82 : vector<1x64x64xf32> to vector<64x64xf32>
    %dot_general3A_84 = arith.constant dense<0.000000e+00> : vector<2560x64xf32>
    %dot_general3A_85 = tpu.matmul %reshape3A_78, %get3A_83, %dot_general3A_84 {dimension_numbers = #tpu.dot_dimension_numbers<[1], [0], [0], [1], [0, 0, 1, 1], [], []>, transpose_lhs_hint = false} : vector<2560x64xf32>, vector<64x64xf32>, vector<2560x64xf32> -> vector<2560x64xf32>
    %add3A_86 = arith.addf %add3A_71, %dot_general3A_85 : vector<2560x64xf32>
    %ge3A = arith.constant 0.000000e+00 : f32
    %ge3A_87 = vector.broadcast %ge3A : f32 to vector<2560x64xf32>
    %ge3A_88 = arith.cmpf oge, %add3A_86, %ge3A_87 : vector<2560x64xf32>
    %mul3A = arith.constant 1.000000e-01 : f32
    %mul3A_89 = vector.broadcast %mul3A : f32 to vector<2560x64xf32>
    %mul3A_90 = arith.mulf %mul3A_89, %add3A_86 : vector<2560x64xf32>
    %select_n3A = arith.select %ge3A_88, %add3A_86, %mul3A_90 : vector<2560x64xi1>, vector<2560x64xf32>
    %reshape3A_91 = vector.shape_cast %select_n3A : vector<2560x64xf32> to vector<64x5x8x64xf32>
    %swap3A = arith.constant 0 : index
    %swap3A_92 = arith.constant 0 : index
    %swap3A_93 = arith.constant 0 : index
    %swap3A_94 = arith.constant 0 : index
    %swap3A_95 = arith.constant 0 : index
    %swap3A_96 = arith.constant 0 : index
    %swap3A_97 = arith.constant 0 : index
    %swap3A_98 = vector.load %arg3[%swap3A, %swap3A_92, %swap3A_93, %swap3A_94, %swap3A_95, %swap3A_96, %swap3A_97] : memref<1x1x64x5x1x8x64xf32, #tpu.memory_space<vmem>>, vector<1x1x64x5x1x8x64xf32>
    %swap3A_99 = vector.shape_cast %swap3A_98 : vector<1x1x64x5x1x8x64xf32> to vector<64x5x8x64xf32>
    %swap3A_100 = vector.shape_cast %reshape3A_91 : vector<64x5x8x64xf32> to vector<1x1x64x5x1x8x64xf32>
    tpu.vector_store %arg3[%swap3A, %swap3A_92, %swap3A_93, %swap3A_94, %swap3A_95, %swap3A_96, %swap3A_97], %swap3A_100 {strides = array<i32>} : memref<1x1x64x5x1x8x64xf32, #tpu.memory_space<vmem>>, vector<1x1x64x5x1x8x64xf32>,
    return
  }
  func.func @transform_0(%arg0: i32) -> (i32, i32, i32, i32) {
    %c0_i32 = arith.constant 0 : i32
    %c0_i32_0 = arith.constant 0 : i32
    %c0_i32_1 = arith.constant 0 : i32
    %c0_i32_2 = arith.constant 0 : i32
    return %arg0, %c0_i32, %c0_i32_0, %c0_i32_1 : i32, i32, i32, i32
  }
  func.func @transform_1(%arg0: i32) -> (i32, i32, i32) {
    %c0_i32 = arith.constant 0 : i32
    %c0_i32_0 = arith.constant 0 : i32
    %c0_i32_1 = arith.constant 0 : i32
    %c0_i32_2 = arith.constant 0 : i32
    return %c0_i32, %c0_i32_0, %c0_i32_1 : i32, i32, i32
  }
  func.func @transform_2(%arg0: i32) -> (i32, i32, i32, i32, i32, i32, i32) {
    %jit3A = arith.constant 40 : i32
    %div3A = arith.divsi %arg0, %jit3A : i32
    %sign3A = arith.constant 0 : i32
    %sign3A_0 = arith.cmpi sgt, %arg0, %sign3A : i32
    %sign3A_1 = arith.extui %sign3A_0 : i1 to i32
    %sign3A_2 = arith.constant 0 : i32
    %sign3A_3 = arith.cmpi slt, %arg0, %sign3A_2 : i32
    %sign3A_4 = arith.extui %sign3A_3 : i1 to i32
    %sign3A_5 = arith.subi %sign3A_1, %sign3A_4 : i32
    %sign3A_6 = arith.constant 0 : i32
    %sign3A_7 = arith.cmpi sgt, %jit3A, %sign3A_6 : i32
    %sign3A_8 = arith.extui %sign3A_7 : i1 to i32
    %sign3A_9 = arith.constant 0 : i32
    %sign3A_10 = arith.cmpi slt, %jit3A, %sign3A_9 : i32
    %sign3A_11 = arith.extui %sign3A_10 : i1 to i32
    %sign3A_12 = arith.subi %sign3A_8, %sign3A_11 : i32
    %ne3A = arith.cmpi ne, %sign3A_5, %sign3A_12 : i32
    %rem3A = arith.remsi %arg0, %jit3A : i32
    %ne3A_13 = arith.constant 0 : i32
    %ne3A_14 = arith.cmpi ne, %rem3A, %ne3A_13 : i32
    %and3A = arith.andi %ne3A, %ne3A_14 : i1
    %sub3A = arith.constant 1 : i32
    %sub3A_15 = arith.subi %div3A, %sub3A : i32
    %select_n3A = arith.select %and3A, %sub3A_15, %div3A : i32
    %jit3A_16 = arith.constant 5 : i32
    %eq3A = arith.constant 0 : i32
    %eq3A_17 = arith.cmpi eq, %jit3A_16, %eq3A : i32
    %jit3A_18 = arith.constant 1 : i32
    %select_n3A_19 = arith.select %eq3A_17, %jit3A_18, %jit3A_16 : i32
    %rem3A_20 = arith.remsi %arg0, %select_n3A_19 : i32
    %ne3A_21 = arith.constant 0 : i32
    %ne3A_22 = arith.cmpi ne, %rem3A_20, %ne3A_21 : i32
    %lt3A = arith.constant 0 : i32
    %lt3A_23 = arith.cmpi slt, %rem3A_20, %lt3A : i32
    %lt3A_24 = arith.constant 0 : i32
    %lt3A_25 = arith.cmpi slt, %select_n3A_19, %lt3A_24 : i32
    %ne3A_26 = arith.xori %lt3A_23, %lt3A_25 : i1
    %and3A_27 = arith.andi %ne3A_26, %ne3A_22 : i1
    %add3A = arith.addi %rem3A_20, %select_n3A_19 : i32
    %select_n3A_28 = arith.select %and3A_27, %add3A, %rem3A_20 : i32
    %jit3A_29 = arith.constant 5 : i32
    %div3A_30 = arith.divsi %arg0, %jit3A_29 : i32
    %sign3A_31 = arith.constant 0 : i32
    %sign3A_32 = arith.cmpi sgt, %arg0, %sign3A_31 : i32
    %sign3A_33 = arith.extui %sign3A_32 : i1 to i32
    %sign3A_34 = arith.constant 0 : i32
    %sign3A_35 = arith.cmpi slt, %arg0, %sign3A_34 : i32
    %sign3A_36 = arith.extui %sign3A_35 : i1 to i32
    %sign3A_37 = arith.subi %sign3A_33, %sign3A_36 : i32
    %sign3A_38 = arith.constant 0 : i32
    %sign3A_39 = arith.cmpi sgt, %jit3A_29, %sign3A_38 : i32
    %sign3A_40 = arith.extui %sign3A_39 : i1 to i32
    %sign3A_41 = arith.constant 0 : i32
    %sign3A_42 = arith.cmpi slt, %jit3A_29, %sign3A_41 : i32
    %sign3A_43 = arith.extui %sign3A_42 : i1 to i32
    %sign3A_44 = arith.subi %sign3A_40, %sign3A_43 : i32
    %ne3A_45 = arith.cmpi ne, %sign3A_37, %sign3A_44 : i32
    %rem3A_46 = arith.remsi %arg0, %jit3A_29 : i32
    %ne3A_47 = arith.constant 0 : i32
    %ne3A_48 = arith.cmpi ne, %rem3A_46, %ne3A_47 : i32
    %and3A_49 = arith.andi %ne3A_45, %ne3A_48 : i1
    %sub3A_50 = arith.constant 1 : i32
    %sub3A_51 = arith.subi %div3A_30, %sub3A_50 : i32
    %select_n3A_52 = arith.select %and3A_49, %sub3A_51, %div3A_30 : i32
    %jit3A_53 = arith.constant 8 : i32
    %eq3A_54 = arith.constant 0 : i32
    %eq3A_55 = arith.cmpi eq, %jit3A_53, %eq3A_54 : i32
    %jit3A_56 = arith.constant 1 : i32
    %select_n3A_57 = arith.select %eq3A_55, %jit3A_56, %jit3A_53 : i32
    %rem3A_58 = arith.remsi %select_n3A_52, %select_n3A_57 : i32
    %ne3A_59 = arith.constant 0 : i32
    %ne3A_60 = arith.cmpi ne, %rem3A_58, %ne3A_59 : i32
    %lt3A_61 = arith.constant 0 : i32
    %lt3A_62 = arith.cmpi slt, %rem3A_58, %lt3A_61 : i32
    %lt3A_63 = arith.constant 0 : i32
    %lt3A_64 = arith.cmpi slt, %select_n3A_57, %lt3A_63 : i32
    %ne3A_65 = arith.xori %lt3A_62, %lt3A_64 : i1
    %and3A_66 = arith.andi %ne3A_65, %ne3A_60 : i1
    %add3A_67 = arith.addi %rem3A_58, %select_n3A_57 : i32
    %select_n3A_68 = arith.select %and3A_66, %add3A_67, %rem3A_58 : i32
    %c0_i32 = arith.constant 0 : i32
    %c0_i32_69 = arith.constant 0 : i32
    %c0_i32_70 = arith.constant 0 : i32
    %c0_i32_71 = arith.constant 0 : i32
    %c0_i32_72 = arith.constant 0 : i32
    return %select_n3A, %select_n3A_28, %c0_i32, %c0_i32_69, %select_n3A_68, %c0_i32_70, %c0_i32_71 : i32, i32, i32, i32, i32, i32, i32
  }
}

module attributes {stable_mosaic.version = 14 : i64} {
  func.func @_k4_conv3(%arg0: i32, %arg1: memref<16x5x64x64xf32, #tpu.memory_space<vmem>>, %arg2: memref<16x5x64x64xf32, #tpu.memory_space<vmem>>, %arg3: memref<3x3x128x64xf32, #tpu.memory_space<vmem>>, %arg4: memref<16x5x64x64xf32, #tpu.memory_space<vmem>>) attributes {dimension_semantics = [#tpu.dimension_semantics<arbitrary>], iteration_bounds = array<i64: 40>, scalar_prefetch = 0 : i64, scratch_operands = 0 : i64, tpu.core_type = #tpu.core_type<tc>, window_params = [{transform_indices = @transform_0, window_bounds = array<i64: 16, 5, 64, 64>}, {transform_indices = @transform_1, window_bounds = array<i64: 16, 5, 64, 64>}, {pipeline_mode = #tpu.pipeline_mode<synchronous>, transform_indices = @transform_2, window_bounds = array<i64: 3, 3, 128, 64>}, {transform_indices = @transform_3, window_bounds = array<i64: 16, 5, 64, 64>}]} {
    %get3A = arith.constant 0 : index
    %get3A_0 = arith.constant 0 : index
    %get3A_1 = arith.constant 0 : index
    %get3A_2 = arith.constant 0 : index
    %get3A_3 = vector.load %arg1[%get3A, %get3A_0, %get3A_1, %get3A_2] : memref<16x5x64x64xf32, #tpu.memory_space<vmem>>, vector<16x5x64x64xf32>
    %get3A_4 = arith.constant 0 : index
    %get3A_5 = arith.constant 0 : index
    %get3A_6 = arith.constant 0 : index
    %get3A_7 = arith.constant 0 : index
    %get3A_8 = vector.load %arg2[%get3A_4, %get3A_5, %get3A_6, %get3A_7] : memref<16x5x64x64xf32, #tpu.memory_space<vmem>>, vector<16x5x64x64xf32>
    %concatenate3A = tpu.concatenate %get3A_3, %get3A_8 in 3 : vector<16x5x64x64xf32>, vector<16x5x64x64xf32> -> vector<16x5x64x128xf32>
    %jit3A = arith.constant 0 : i32
    %convert_element_type3A = arith.sitofp %jit3A : i32 to f32
    %pad3A = vector.broadcast %convert_element_type3A : f32 to vector<16x1x64x128xf32>
    %pad3A_9 = tpu.concatenate %pad3A, %concatenate3A in 1 : vector<16x1x64x128xf32>, vector<16x5x64x128xf32> -> vector<16x6x64x128xf32>
    %pad3A_10 = vector.broadcast %convert_element_type3A : f32 to vector<16x1x64x128xf32>
    %pad3A_11 = tpu.concatenate %pad3A_9, %pad3A_10 in 1 : vector<16x6x64x128xf32>, vector<16x1x64x128xf32> -> vector<16x7x64x128xf32>
    %pad3A_12 = vector.broadcast %convert_element_type3A : f32 to vector<16x7x1x128xf32>
    %pad3A_13 = tpu.concatenate %pad3A_12, %pad3A_11 in 2 : vector<16x7x1x128xf32>, vector<16x7x64x128xf32> -> vector<16x7x65x128xf32>
    %pad3A_14 = vector.broadcast %convert_element_type3A : f32 to vector<16x7x1x128xf32>
    %pad3A_15 = tpu.concatenate %pad3A_13, %pad3A_14 in 2 : vector<16x7x65x128xf32>, vector<16x7x1x128xf32> -> vector<16x7x66x128xf32>
    %broadcast_in_dim3A = arith.constant 0.000000e+00 : f32
    %broadcast_in_dim3A_16 = vector.broadcast %broadcast_in_dim3A : f32 to vector<5120x64xf32>
    %slice3A = vector.extract_strided_slice %pad3A_15 {offsets = [0, 0, 0, 0], sizes = [16, 5, 64, 128], strides = [1, 1, 1, 1]} : vector<16x7x66x128xf32> to vector<16x5x64x128xf32>
    %reshape3A = vector.shape_cast %slice3A : vector<16x5x64x128xf32> to vector<5120x128xf32>
    %get3A_17 = arith.constant 0 : index
    %get3A_18 = arith.constant 0 : index
    %get3A_19 = arith.constant 0 : index
    %get3A_20 = arith.constant 0 : index
    %get3A_21 = vector.load %arg3[%get3A_17, %get3A_18, %get3A_19, %get3A_20] : memref<3x3x128x64xf32, #tpu.memory_space<vmem>>, vector<1x1x128x64xf32>
    %get3A_22 = vector.shape_cast %get3A_21 : vector<1x1x128x64xf32> to vector<128x64xf32>
    %dot_general3A = arith.constant dense<0.000000e+00> : vector<5120x64xf32>
    %dot_general3A_23 = tpu.matmul %reshape3A, %get3A_22, %dot_general3A {dimension_numbers = #tpu.dot_dimension_numbers<[1], [0], [0], [1], [0, 0, 1, 1], [], []>, transpose_lhs_hint = false} : vector<5120x128xf32>, vector<128x64xf32>, vector<5120x64xf32> -> vector<5120x64xf32>
    %add3A = arith.addf %broadcast_in_dim3A_16, %dot_general3A_23 : vector<5120x64xf32>
    %slice3A_24 = vector.extract_strided_slice %pad3A_15 {offsets = [0, 0, 1, 0], sizes = [16, 5, 64, 128], strides = [1, 1, 1, 1]} : vector<16x7x66x128xf32> to vector<16x5x64x128xf32>
    %reshape3A_25 = vector.shape_cast %slice3A_24 : vector<16x5x64x128xf32> to vector<5120x128xf32>
    %get3A_26 = arith.constant 0 : index
    %get3A_27 = arith.constant 1 : index
    %get3A_28 = arith.constant 0 : index
    %get3A_29 = arith.constant 0 : index
    %get3A_30 = vector.load %arg3[%get3A_26, %get3A_27, %get3A_28, %get3A_29] : memref<3x3x128x64xf32, #tpu.memory_space<vmem>>, vector<1x1x128x64xf32>
    %get3A_31 = vector.shape_cast %get3A_30 : vector<1x1x128x64xf32> to vector<128x64xf32>
    %dot_general3A_32 = arith.constant dense<0.000000e+00> : vector<5120x64xf32>
    %dot_general3A_33 = tpu.matmul %reshape3A_25, %get3A_31, %dot_general3A_32 {dimension_numbers = #tpu.dot_dimension_numbers<[1], [0], [0], [1], [0, 0, 1, 1], [], []>, transpose_lhs_hint = false} : vector<5120x128xf32>, vector<128x64xf32>, vector<5120x64xf32> -> vector<5120x64xf32>
    %add3A_34 = arith.addf %add3A, %dot_general3A_33 : vector<5120x64xf32>
    %slice3A_35 = vector.extract_strided_slice %pad3A_15 {offsets = [0, 0, 2, 0], sizes = [16, 5, 64, 128], strides = [1, 1, 1, 1]} : vector<16x7x66x128xf32> to vector<16x5x64x128xf32>
    %reshape3A_36 = vector.shape_cast %slice3A_35 : vector<16x5x64x128xf32> to vector<5120x128xf32>
    %get3A_37 = arith.constant 0 : index
    %get3A_38 = arith.constant 2 : index
    %get3A_39 = arith.constant 0 : index
    %get3A_40 = arith.constant 0 : index
    %get3A_41 = vector.load %arg3[%get3A_37, %get3A_38, %get3A_39, %get3A_40] : memref<3x3x128x64xf32, #tpu.memory_space<vmem>>, vector<1x1x128x64xf32>
    %get3A_42 = vector.shape_cast %get3A_41 : vector<1x1x128x64xf32> to vector<128x64xf32>
    %dot_general3A_43 = arith.constant dense<0.000000e+00> : vector<5120x64xf32>
    %dot_general3A_44 = tpu.matmul %reshape3A_36, %get3A_42, %dot_general3A_43 {dimension_numbers = #tpu.dot_dimension_numbers<[1], [0], [0], [1], [0, 0, 1, 1], [], []>, transpose_lhs_hint = false} : vector<5120x128xf32>, vector<128x64xf32>, vector<5120x64xf32> -> vector<5120x64xf32>
    %add3A_45 = arith.addf %add3A_34, %dot_general3A_44 : vector<5120x64xf32>
    %slice3A_46 = vector.extract_strided_slice %pad3A_15 {offsets = [0, 1, 0, 0], sizes = [16, 5, 64, 128], strides = [1, 1, 1, 1]} : vector<16x7x66x128xf32> to vector<16x5x64x128xf32>
    %reshape3A_47 = vector.shape_cast %slice3A_46 : vector<16x5x64x128xf32> to vector<5120x128xf32>
    %get3A_48 = arith.constant 1 : index
    %get3A_49 = arith.constant 0 : index
    %get3A_50 = arith.constant 0 : index
    %get3A_51 = arith.constant 0 : index
    %get3A_52 = vector.load %arg3[%get3A_48, %get3A_49, %get3A_50, %get3A_51] : memref<3x3x128x64xf32, #tpu.memory_space<vmem>>, vector<1x1x128x64xf32>
    %get3A_53 = vector.shape_cast %get3A_52 : vector<1x1x128x64xf32> to vector<128x64xf32>
    %dot_general3A_54 = arith.constant dense<0.000000e+00> : vector<5120x64xf32>
    %dot_general3A_55 = tpu.matmul %reshape3A_47, %get3A_53, %dot_general3A_54 {dimension_numbers = #tpu.dot_dimension_numbers<[1], [0], [0], [1], [0, 0, 1, 1], [], []>, transpose_lhs_hint = false} : vector<5120x128xf32>, vector<128x64xf32>, vector<5120x64xf32> -> vector<5120x64xf32>
    %add3A_56 = arith.addf %add3A_45, %dot_general3A_55 : vector<5120x64xf32>
    %slice3A_57 = vector.extract_strided_slice %pad3A_15 {offsets = [0, 1, 1, 0], sizes = [16, 5, 64, 128], strides = [1, 1, 1, 1]} : vector<16x7x66x128xf32> to vector<16x5x64x128xf32>
    %reshape3A_58 = vector.shape_cast %slice3A_57 : vector<16x5x64x128xf32> to vector<5120x128xf32>
    %get3A_59 = arith.constant 1 : index
    %get3A_60 = arith.constant 1 : index
    %get3A_61 = arith.constant 0 : index
    %get3A_62 = arith.constant 0 : index
    %get3A_63 = vector.load %arg3[%get3A_59, %get3A_60, %get3A_61, %get3A_62] : memref<3x3x128x64xf32, #tpu.memory_space<vmem>>, vector<1x1x128x64xf32>
    %get3A_64 = vector.shape_cast %get3A_63 : vector<1x1x128x64xf32> to vector<128x64xf32>
    %dot_general3A_65 = arith.constant dense<0.000000e+00> : vector<5120x64xf32>
    %dot_general3A_66 = tpu.matmul %reshape3A_58, %get3A_64, %dot_general3A_65 {dimension_numbers = #tpu.dot_dimension_numbers<[1], [0], [0], [1], [0, 0, 1, 1], [], []>, transpose_lhs_hint = false} : vector<5120x128xf32>, vector<128x64xf32>, vector<5120x64xf32> -> vector<5120x64xf32>
    %add3A_67 = arith.addf %add3A_56, %dot_general3A_66 : vector<5120x64xf32>
    %slice3A_68 = vector.extract_strided_slice %pad3A_15 {offsets = [0, 1, 2, 0], sizes = [16, 5, 64, 128], strides = [1, 1, 1, 1]} : vector<16x7x66x128xf32> to vector<16x5x64x128xf32>
    %reshape3A_69 = vector.shape_cast %slice3A_68 : vector<16x5x64x128xf32> to vector<5120x128xf32>
    %get3A_70 = arith.constant 1 : index
    %get3A_71 = arith.constant 2 : index
    %get3A_72 = arith.constant 0 : index
    %get3A_73 = arith.constant 0 : index
    %get3A_74 = vector.load %arg3[%get3A_70, %get3A_71, %get3A_72, %get3A_73] : memref<3x3x128x64xf32, #tpu.memory_space<vmem>>, vector<1x1x128x64xf32>
    %get3A_75 = vector.shape_cast %get3A_74 : vector<1x1x128x64xf32> to vector<128x64xf32>
    %dot_general3A_76 = arith.constant dense<0.000000e+00> : vector<5120x64xf32>
    %dot_general3A_77 = tpu.matmul %reshape3A_69, %get3A_75, %dot_general3A_76 {dimension_numbers = #tpu.dot_dimension_numbers<[1], [0], [0], [1], [0, 0, 1, 1], [], []>, transpose_lhs_hint = false} : vector<5120x128xf32>, vector<128x64xf32>, vector<5120x64xf32> -> vector<5120x64xf32>
    %add3A_78 = arith.addf %add3A_67, %dot_general3A_77 : vector<5120x64xf32>
    %slice3A_79 = vector.extract_strided_slice %pad3A_15 {offsets = [0, 2, 0, 0], sizes = [16, 5, 64, 128], strides = [1, 1, 1, 1]} : vector<16x7x66x128xf32> to vector<16x5x64x128xf32>
    %reshape3A_80 = vector.shape_cast %slice3A_79 : vector<16x5x64x128xf32> to vector<5120x128xf32>
    %get3A_81 = arith.constant 2 : index
    %get3A_82 = arith.constant 0 : index
    %get3A_83 = arith.constant 0 : index
    %get3A_84 = arith.constant 0 : index
    %get3A_85 = vector.load %arg3[%get3A_81, %get3A_82, %get3A_83, %get3A_84] : memref<3x3x128x64xf32, #tpu.memory_space<vmem>>, vector<1x1x128x64xf32>
    %get3A_86 = vector.shape_cast %get3A_85 : vector<1x1x128x64xf32> to vector<128x64xf32>
    %dot_general3A_87 = arith.constant dense<0.000000e+00> : vector<5120x64xf32>
    %dot_general3A_88 = tpu.matmul %reshape3A_80, %get3A_86, %dot_general3A_87 {dimension_numbers = #tpu.dot_dimension_numbers<[1], [0], [0], [1], [0, 0, 1, 1], [], []>, transpose_lhs_hint = false} : vector<5120x128xf32>, vector<128x64xf32>, vector<5120x64xf32> -> vector<5120x64xf32>
    %add3A_89 = arith.addf %add3A_78, %dot_general3A_88 : vector<5120x64xf32>
    %slice3A_90 = vector.extract_strided_slice %pad3A_15 {offsets = [0, 2, 1, 0], sizes = [16, 5, 64, 128], strides = [1, 1, 1, 1]} : vector<16x7x66x128xf32> to vector<16x5x64x128xf32>
    %reshape3A_91 = vector.shape_cast %slice3A_90 : vector<16x5x64x128xf32> to vector<5120x128xf32>
    %get3A_92 = arith.constant 2 : index
    %get3A_93 = arith.constant 1 : index
    %get3A_94 = arith.constant 0 : index
    %get3A_95 = arith.constant 0 : index
    %get3A_96 = vector.load %arg3[%get3A_92, %get3A_93, %get3A_94, %get3A_95] : memref<3x3x128x64xf32, #tpu.memory_space<vmem>>, vector<1x1x128x64xf32>
    %get3A_97 = vector.shape_cast %get3A_96 : vector<1x1x128x64xf32> to vector<128x64xf32>
    %dot_general3A_98 = arith.constant dense<0.000000e+00> : vector<5120x64xf32>
    %dot_general3A_99 = tpu.matmul %reshape3A_91, %get3A_97, %dot_general3A_98 {dimension_numbers = #tpu.dot_dimension_numbers<[1], [0], [0], [1], [0, 0, 1, 1], [], []>, transpose_lhs_hint = false} : vector<5120x128xf32>, vector<128x64xf32>, vector<5120x64xf32> -> vector<5120x64xf32>
    %add3A_100 = arith.addf %add3A_89, %dot_general3A_99 : vector<5120x64xf32>
    %slice3A_101 = vector.extract_strided_slice %pad3A_15 {offsets = [0, 2, 2, 0], sizes = [16, 5, 64, 128], strides = [1, 1, 1, 1]} : vector<16x7x66x128xf32> to vector<16x5x64x128xf32>
    %reshape3A_102 = vector.shape_cast %slice3A_101 : vector<16x5x64x128xf32> to vector<5120x128xf32>
    %get3A_103 = arith.constant 2 : index
    %get3A_104 = arith.constant 2 : index
    %get3A_105 = arith.constant 0 : index
    %get3A_106 = arith.constant 0 : index
    %get3A_107 = vector.load %arg3[%get3A_103, %get3A_104, %get3A_105, %get3A_106] : memref<3x3x128x64xf32, #tpu.memory_space<vmem>>, vector<1x1x128x64xf32>
    %get3A_108 = vector.shape_cast %get3A_107 : vector<1x1x128x64xf32> to vector<128x64xf32>
    %dot_general3A_109 = arith.constant dense<0.000000e+00> : vector<5120x64xf32>
    %dot_general3A_110 = tpu.matmul %reshape3A_102, %get3A_108, %dot_general3A_109 {dimension_numbers = #tpu.dot_dimension_numbers<[1], [0], [0], [1], [0, 0, 1, 1], [], []>, transpose_lhs_hint = false} : vector<5120x128xf32>, vector<128x64xf32>, vector<5120x64xf32> -> vector<5120x64xf32>
    %add3A_111 = arith.addf %add3A_100, %dot_general3A_110 : vector<5120x64xf32>
    %ge3A = arith.constant 0.000000e+00 : f32
    %ge3A_112 = vector.broadcast %ge3A : f32 to vector<5120x64xf32>
    %ge3A_113 = arith.cmpf oge, %add3A_111, %ge3A_112 : vector<5120x64xf32>
    %mul3A = arith.constant 1.000000e-01 : f32
    %mul3A_114 = vector.broadcast %mul3A : f32 to vector<5120x64xf32>
    %mul3A_115 = arith.mulf %mul3A_114, %add3A_111 : vector<5120x64xf32>
    %select_n3A = arith.select %ge3A_113, %add3A_111, %mul3A_115 : vector<5120x64xi1>, vector<5120x64xf32>
    %reshape3A_116 = vector.shape_cast %select_n3A : vector<5120x64xf32> to vector<16x5x64x64xf32>
    %swap3A = arith.constant 0 : index
    %swap3A_117 = arith.constant 0 : index
    %swap3A_118 = arith.constant 0 : index
    %swap3A_119 = arith.constant 0 : index
    %swap3A_120 = vector.load %arg4[%swap3A, %swap3A_117, %swap3A_118, %swap3A_119] : memref<16x5x64x64xf32, #tpu.memory_space<vmem>>, vector<16x5x64x64xf32>
    tpu.vector_store %arg4[%swap3A, %swap3A_117, %swap3A_118, %swap3A_119], %reshape3A_116 {strides = array<i32>} : memref<16x5x64x64xf32, #tpu.memory_space<vmem>>, vector<16x5x64x64xf32>,
    return
  }
  func.func @transform_0(%arg0: i32) -> (i32, i32, i32, i32) {
    %c0_i32 = arith.constant 0 : i32
    %c0_i32_0 = arith.constant 0 : i32
    %c0_i32_1 = arith.constant 0 : i32
    %c0_i32_2 = arith.constant 0 : i32
    return %arg0, %c0_i32, %c0_i32_0, %c0_i32_1 : i32, i32, i32, i32
  }
  func.func @transform_1(%arg0: i32) -> (i32, i32, i32, i32) {
    %c0_i32 = arith.constant 0 : i32
    %c0_i32_0 = arith.constant 0 : i32
    %c0_i32_1 = arith.constant 0 : i32
    %c0_i32_2 = arith.constant 0 : i32
    return %arg0, %c0_i32, %c0_i32_0, %c0_i32_1 : i32, i32, i32, i32
  }
  func.func @transform_2(%arg0: i32) -> (i32, i32, i32, i32) {
    %c0_i32 = arith.constant 0 : i32
    %c0_i32_0 = arith.constant 0 : i32
    %c0_i32_1 = arith.constant 0 : i32
    %c0_i32_2 = arith.constant 0 : i32
    %c0_i32_3 = arith.constant 0 : i32
    return %c0_i32, %c0_i32_0, %c0_i32_1, %c0_i32_2 : i32, i32, i32, i32
  }
  func.func @transform_3(%arg0: i32) -> (i32, i32, i32, i32) {
    %c0_i32 = arith.constant 0 : i32
    %c0_i32_0 = arith.constant 0 : i32
    %c0_i32_1 = arith.constant 0 : i32
    %c0_i32_2 = arith.constant 0 : i32
    return %arg0, %c0_i32, %c0_i32_0, %c0_i32_1 : i32, i32, i32, i32
  }
}

</mosaic_0001>

<sc_bundles>
// kernel: kernel.6.cloned.1.call-start
scs
__scs_entry_jumppad:
0x0: {  	(pc) =	sbr.rel $0x88, $3  }
0x1: {  	(tag) =	ssettag $0x0;
	lr =	simm.s32 $0x1  }
0x2: {  	[smem:$0x3F9E] =	sst lr;
	_ =	strace $0xD0000000  }
0x3: {  	_ = 	snop  }
0x4: {  	_ = 	snop  }
0x5: {  	_ = 	snop  }
0x6: {  	_ = 	snop  }
0x7: {  	_ = 	snop  }
__scs_overlays_trampoline_lowered:
0x8: {  	[smem:$0x3FAD] =	sst s0  }
0x9: {  	[smem:$0x3FAE] =	sst s1  }
0xa: {  	[smem:$0x3FAF] =	sst s2  }
0xb: {  	[smem:$0x3FB0] =	sst s3  }
0xc: {  	[smem:$0x3FB1] =	sst s4  }
0xd: {  	[smem:$0x3FB2] =	sst s5  }
0xe: {  	[smem:$0x3FB3] =	sst s6  }
0xf: {  	[smem:$0x3FB4] =	sst s7  }
0x10: {  	[smem:$0x3FB5] =	sst s8  }
0x11: {  	[smem:$0x3FB6] =	sst s9;
	s0 =	simm.s32 @!p0 $0x0  }
0x12: {  	s1 =	sld [smem:$0x3F9C];
	s0 =	simm.s32 @p0 $0x1  }
0x13: {  	[smem:$0x3FB7] =	sst s0;
	s0 =	simm.s32 @!p1 $0x0  }
0x14: {  	s2 =	sld [smem:$0x3F9B];
	s0 =	simm.s32 @p1 $0x1  }
0x15: {  	[smem:$0x3FB8] =	sst s0;
	s0 =	simm.s32 @!p2 $0x0  }
0x16: {  	s3 =	sld [smem:$0x3FDB];
	s0 =	simm.s32 @p2 $0x1  }
0x17: {  	s4 =	simm.s32 $0x1BF5;
	[smem:$0x3FBA] =	sst s0  }
0x18: {  	s0 =	sld [smem:$0x3F9D];
	_ =	swait.ge [sflag:s4], $0x0  }
0x19: {  	s7 =	sld [smem:$0x3F9E]  }
0x1a: {  	s8 =	sadd.s32 $0xFFFFE003, lr  }
0x1b: {  	s9 =	sadd.s32 $0xFFFFFEF7, lr;
	s5 =	simm.s32 $0xFFFFFFFF;
	p2 =	slt.u32 s8, $0xFFFFF086  }
0x1c: {  	p1 =	slt.u32 s9, $0xF7A;
	s5 =	simm.s32 @!p2 $0x0  }
0x1d: {  	s5 =	simm.s32 @p1 $0x1;
	p0 =	seq.s32 s7, s2  }
0x1e: {  	s7 =	smul.u32 @!p0 $0xF7A, s2;
	p2 =	seq.s32 @!p0 s5, $0x0  }
0x1f: {  	s9 =	smul.u32 $0xF7A, s1;
	s8 =	simm.s32 @!p0 $0x1BF5;
	p2 =	por !p2, p0  }
0x20: {  	[sflag:s8] =	ssyncset.s32 @!p0 $0xFFFFF086;
	s6 =	sadd.s32 @!p0 s3, s7;
	s7 =	simm.s32 @!p0 $0x108  }
0x21: {  	s3 =	sadd.s32 s3, s9;
	s6 =	sadd.s32 @!p0 $0x88, s6;
	s7 =	simm.s32 @p2 $0x1082  }
0x22: {  	[simem:s7], [sflag:s8] =	dma.local @!p0 [hbm:s6], $0xF7A  }
0x23: {  	s9 =	sor.u32 $0xD0000000, s2;
	s6 =	simm.s32 $0x108;
	_ =	swait.ge @!p0 [sflag:s8], $0x0  }
0x24: {  	s3 =	sadd.s32 $0x88, s3;
	s6 =	simm.s32 @!p1 $0x1082;
	[sflag:s4] =	ssyncset.s32 $0xFFFFF086  }
0x25: {  	[simem:s6], [sflag:s4] =	dma.local [hbm:s3], $0xF7A  }
0x26: {  	[smem:$0x3F9E] =	sst s1;
	(tag) =	ssettag s2;
	_ =	strace s9  }
0x27: {  	s1 =	sld [smem:$0x3FAE]  }
0x28: {  	s2 =	sld [smem:$0x3FAF]  }
0x29: {  	s4 =	sld [smem:$0x3FB1]  }
0x2a: {  	p0 =	seq.s32 s5, $0x0;
	s5 =	sld [smem:$0x3FB2]  }
0x2b: {  	s6 =	sld [smem:$0x3FB3]  }
0x2c: {  	s7 =	sld [smem:$0x3FB4]  }
0x2d: {  	s3 =	simm.s32 $0x108;
	s8 =	sld [smem:$0x3FB5]  }
0x2e: {  	s3 =	simm.s32 @!p0 $0x1082;
	s9 =	sld [smem:$0x3FB6]  }
0x2f: {  	lr =	sadd.s32 s0, s3;
	s0 =	sld [smem:$0x3FAD]  }
0x30: {  	s3 =	sld [smem:$0x3FB0]  }
0x31: {  	[smem:$0x3FB9] =	sst s10  }
0x32: {  	s10 =	sld [smem:$0x3FB7];
	_ =	sdelay $0x3  }
0x33: {  	p0 =	seq.s32 s10, $0x1;
	s10 =	sld [smem:$0x3FB9];
	_ =	sdelay $0x3  }
0x34: {  	[smem:$0x3FB9] =	sst s10  }
0x35: {  	s10 =	sld [smem:$0x3FB8];
	_ =	sdelay $0x3  }
0x36: {  	p1 =	seq.s32 s10, $0x1;
	s10 =	sld [smem:$0x3FB9];
	_ =	sdelay $0x3  }
0x37: {  	[smem:$0x3FB9] =	sst s10  }
0x38: {  	s10 =	sld [smem:$0x3FBA]  }
0x39: {  	_ = 	snop;
	(pc) =	sbr.ind lr, $3  }
0x3a: {  	_ = 	snop  }
0x3b: {  	_ = 	snop  }
0x3c: {  	p2 =	seq.s32 s10, $0x1;
	s10 =	sld [smem:$0x3FB9]  }
0x3d: {  	_ =	shalt  }
0x3e: {  	_ =	shalt  }
0x3f: {  	_ =	shalt  }
0x40: {  	_ =	shalt  }
0x41: {  	_ =	shalt  }
0x42: {  	_ =	shalt  }
0x43: {  	_ =	shalt  }
0x44: {  	_ =	shalt  }
0x45: {  	_ =	shalt  }
0x46: {  	_ =	shalt  }
0x47: {  	_ =	shalt  }
0x48: {  	_ =	shalt  }
0x49: {  	_ =	shalt  }
0x4a: {  	_ =	shalt  }
0x4b: {  	_ =	shalt  }
0x4c: {  	_ =	shalt  }
0x4d: {  	_ =	shalt  }
0x4e: {  	_ =	shalt  }
0x4f: {  	_ =	shalt  }
0x50: {  	_ =	shalt  }
0x51: {  	_ =	shalt  }
0x52: {  	_ =	shalt  }
0x53: {  	_ =	shalt  }
0x54: {  	_ =	shalt  }
0x55: {  	_ =	shalt  }
0x56: {  	_ =	shalt  }
0x57: {  	_ =	shalt  }
0x58: {  	_ =	shalt  }
0x59: {  	_ =	shalt  }
0x5a: {  	_ =	shalt  }
0x5b: {  	_ =	shalt  }
0x5c: {  	_ =	shalt  }
0x5d: {  	_ =	shalt  }
0x5e: {  	_ =	shalt  }
0x5f: {  	_ =	shalt  }
0x60: {  	_ =	shalt  }
0x61: {  	_ =	shalt  }
0x62: {  	_ =	shalt  }
0x63: {  	_ =	shalt  }
0x64: {  	_ =	shalt  }
0x65: {  	_ =	shalt  }
0x66: {  	_ =	shalt  }
0x67: {  	_ =	shalt  }
0x68: {  	_ =	shalt  }
0x69: {  	_ =	shalt  }
0x6a: {  	_ =	shalt  }
0x6b: {  	_ =	shalt  }
0x6c: {  	_ =	shalt  }
0x6d: {  	_ =	shalt  }
0x6e: {  	_ =	shalt  }
0x6f: {  	_ =	shalt  }
0x70: {  	_ =	shalt  }
0x71: {  	_ =	shalt  }
0x72: {  	_ =	shalt  }
0x73: {  	_ =	shalt  }
0x74: {  	_ =	shalt  }
0x75: {  	_ =	shalt  }
0x76: {  	_ =	shalt  }
0x77: {  	_ =	shalt  }
0x78: {  	_ =	shalt  }
0x79: {  	_ =	shalt  }
0x7a: {  	_ =	shalt  }
0x7b: {  	_ =	shalt  }
0x7c: {  	_ =	shalt  }
0x7d: {  	_ =	shalt  }
0x7e: {  	_ =	shalt  }
0x7f: {  	_ =	shalt  }
0x80: {  	_ =	shalt  }
0x81: {  	_ =	shalt  }
0x82: {  	_ =	shalt  }
0x83: {  	_ =	shalt  }
0x84: {  	_ =	shalt  }
0x85: {  	_ =	shalt  }
0x86: {  	_ =	shalt  }
0x87: {  	_ =	shalt  }
.Lfunc_end0:
.L_simem_size_0:
called_computation.3_lowered:
.L_overlay_start_0:
0x88: {  	s2 =	sld [smem:$0x3FD9]  }
0x89: {  	s3 =	sld [smem:$0x3FFE];
	_ =	sdelay $0x1  }
0x8a: {  	s1 =	srdreg.scid  }
0x8b: {  	s0 =	sand.u32 $0x1, s1  }
0x8c: {  	s16 =	sshll.u32 s0, $0xA;
	s2 =	sadd.s32 s3, s2  }
0x8d: {  	s2 =	sadd.s32 s2, s16  }
0x8e: {  	[smem:$0x3FC5] =	sst s2  }
0x8f: {  	_ = 	snop  }
0x90: {  	(tm) =	ssettm $0x1  }
0x91: {  	s17 =	sld [smem:$0x3FFB];
	_ =	sdelay $0x3  }
0x92: {  	_ =	strace s17  }
0x93: {  	s2 =	sld [smem:$0x3FFC];
	_ =	sdelay $0x3  }
0x94: {  	_ =	strace s2  }
0x95: {  	s2 =	sld [smem:$0x3FFD];
	_ =	sdelay $0x3  }
0x96: {  	_ =	strace s2  }
0x97: {  	_ =	strace $0x8FFFFFFF  }
0x98: {  	s18 =	sld [smem:$0x3FDB];
	_ =	sdelay $0x1  }
0x99: {  	s19 =	simm.s32 $_scs_section_size  }
0x9a: {  	s4 =	simm.s32 $_size__tile_overlayer_lowered;
	s5 =	simm.s32 $_tile_overlayer_lowered  }
0x9b: {  	s22 =	simm.s32 $0x1BFF;
	s21 =	sshll.u32 s5, $0x1;
	s2 =	sadd.s32 s19, s18  }
0x9c: {  	s6 =	simm.s32 $0x0;
	s20 =	sshll.u32 s4, $0x1;
	s4 =	sadd.s32 s21, s2  }
0x9d: {  	[timem:s6], [sflag:s22] =	dma.local [hbm:s4], s20  }
0x9e: {  	_ =	swait.ge [sflag:s22], s20  }
0x9f: {  	s3 =	ssub.s32 $0x0, s20;
	[sflag:s22] =	ssyncset.done $0x0  }
0xa0: {  	[sflag:s22] =	ssyncadd.s32 s3;
	_ =	sdelay $0x1  }
0xa1: {  	s23 =	simm.s32 $0x1B8B  }
0xa2: {  	_ =	swait.ge [sflag:s23], $0x1  }
0xa3: {  	[sflag:s23] =	ssyncset.done $0x0  }
0xa4: {  	s25 =	simm.s32 $0x1B8E;
	s24 =	sld [smem:$0x3FFE];
	[sflag:s23] =	ssyncadd.s32 $0xFFFFFFFF  }
0xa5: {  	s26 =	simm.s32 $execute0_lowered;
	[smem:$0x3FD2] =	sst s25  }
0xa6: {  	s4 =	sshll.u32 s26, $0x1;
	_ =	strace $0x80000049;
	[dreg:$0x1] =	wrdreg $0xFFFFFFFF  }
0xa7: {  	s28 =	simm.s32 $_size_execute0_lowered;
	s2 =	sadd.s32 s2, s4;
	[dreg:$0x0] =	wrdreg $0x0  }
0xa8: {  	s4 =	sshll.u32 s28, $0x1;
	[dreg:$0x2] =	wrdreg s2  }
0xa9: {  	[dreg:$0x3] =	wrdreg s4  }
0xaa: {  	[dreg:$0x4] =	wrdreg $0xC0  }
0xab: {  	_ =	task [dreg:s6], $0x5FFFF  }
0xac: {  	[dreg:$0x1] =	wrdreg $0xFFFFFFFF  }
0xad: {  	[dreg:$0x0] =	wrdreg $0x60  }
0xae: {  	[dreg:$0x2] =	wrdreg s24  }
0xaf: {  	[dreg:$0x3] =	wrdreg $0xA  }
0xb0: {  	_ =	task.clear_ibuf [dreg:s6], $0x4FFFF;
	_ =	strace $0x90000049  }
0xb1: {  	s29 =	simm.s32 $0xA;
	_ =	strace $0x8000004B  }
0xb2: {  	_ =	swait.ge [sflag:s29], $0x1  }
0xb3: {  	[sflag:s29] =	ssyncadd.s32 $0xFFFFFFFF  }
0xb4: {  	_ =	strace $0x9000004B  }
0xb5: {  	_ =	sfence  }
0xb6: {  	s30 =	sld [smem:$0x0];
	_ =	sdelay $0x2  }
0xb7: {  	s31 =	sshll.u32 s1, $0xD;
	s1 =	sshrl.u32 s1, $0x2  }
0xb8: {  	s3 =	sand.u32 $0x4000, s31;
	s1 =	sadd.s32 s1, s30  }
0xb9: {  	s0 =	sor.u32 s3, s0;
	s1 =	sshll.u32 s1, $0x11  }
0xba: {  	s0 =	sor.u32 s1, s0  }
0xbb: {  	s0 =	sadd.s32 $0x8F2B, s0  }
0xbc: {  	[sflag:s0] =	ssyncadd.remote.s32 $0x1  }
0xbd: {  	_ =	sfence.sel $0xFFFF  }
0xbe: {  	[dreg:$0x0] =	wrdreg $0xFFFFFFFF;
	(pc) =	sbr.abs _section_cstart, $3  }
0xbf: {  	[dreg:$0x1] =	wrdreg $0xFFFFFFFF  }
0xc0: {  	_ =	task.clear_ibuf [dreg:s6], $0x2FFFF;
	_ =	strace $0x9FFFFFFF  }
0xc1: {  	(tm) =	ssettm $0x7FFFFFFF  }
tec
execute0_lowered:
.L_overlay_start_1:
0x0: {  	(tag) =	ssettag $0x1  }
0x1: {  	s0 =	srdreg.scid;
	s6 =	stileid.u32  }
0x2: {  	s1 =	sand.u32 $0x1, s0;
	s18 =	smul.u32 $0x780, s6  }
0x3: {  	s2 =	smul.u32 $0x3C0, s1;
	_ =	sdelay $0x1  }
0x4: {  	s3 =	sadd.s32 s2, s18  }
0x5: {  	s2 =	sor.u32 $0x18, s3  }
0x6: {  	s0 =	rddreg [dreg:$0x0];
	s4 =	sshrl.u32 s2, $0x3;
	s2 =	simm.s32 $0x0  }
0x7: {  	s19 =	simm.s32 $0xC00;
	[smem:$0x7FF] =	sst s2  }
0x8: {  	s20 =	simm.s32 $0x1400;
	_ =	strace $0x8000004A;
	[dreg:$0x4] =	wrdreg s19  }
0x9: {  	s21 =	simm.s32 $0x1C00;
	[dreg:$0x5] =	wrdreg s20  }
0xa: {  	s22 =	simm.s32 $0x2400;
	[dreg:$0x6] =	wrdreg s21  }
0xb: {  	s23 =	simm.s32 $0x2C00;
	[dreg:$0x7] =	wrdreg s22  }
0xc: {  	s24 =	simm.s32 $0x3400;
	[dreg:$0x8] =	wrdreg s23  }
0xd: {  	s25 =	simm.s32 $0x3C00;
	[dreg:$0x9] =	wrdreg s24  }
0xe: {  	s26 =	simm.s32 $0x4400;
	[dreg:$0xa] =	wrdreg s25  }
0xf: {  	s7 =	simm.s32 $0x5C00;
	[dreg:$0xb] =	wrdreg s26  }
0x10: {  	s8 =	simm.s32 $0x6400;
	[dreg:$0xe] =	wrdreg s7  }
0x11: {  	s9 =	simm.s32 $0x6C00;
	[dreg:$0xf] =	wrdreg s8  }
0x12: {  	s10 =	simm.s32 $0x7400;
	[dreg:$0x10] =	wrdreg s9  }
0x13: {  	s11 =	simm.s32 $0x7C00;
	[dreg:$0x11] =	wrdreg s10  }
0x14: {  	s12 =	simm.s32 $0x8400;
	[dreg:$0x12] =	wrdreg s11  }
0x15: {  	s13 =	simm.s32 $0x8C00;
	[dreg:$0x13] =	wrdreg s12  }
0x16: {  	s14 =	simm.s32 $0x9400;
	[dreg:$0x14] =	wrdreg s13  }
0x17: {  	s15 =	simm.s32 $0x9C00;
	[dreg:$0x15] =	wrdreg s14  }
0x18: {  	s16 =	simm.s32 $0xA400;
	s3 =	sshrl.u32 s3, $0x3;
	[dreg:$0x16] =	wrdreg s15  }
0x19: {  	s17 =	simm.s32 $0xAC00;
	s3 =	smul.u32 $0xA00, s3;
	[dreg:$0x17] =	wrdreg s16  }
0x1a: {  	s5 =	sadd.s32 $0x321800, s0;
	s18 =	simm.s32 $0xB400;
	[dreg:$0x18] =	wrdreg s17  }
0x1b: {  	s3 =	sadd.s32 s3, s5;
	[dreg:$0x19] =	wrdreg s18  }
0x1c: {  	s19 =	simm.s32 $0xBC00;
	[dreg:$0x3] =	wrdreg s3  }
0x1d: {  	s20 =	simm.s32 $0xC400;
	[dreg:$0x1a] =	wrdreg s19  }
0x1e: {  	s21 =	simm.s32 $0xCC00;
	[dreg:$0x1b] =	wrdreg s20  }
0x1f: {  	s22 =	simm.s32 $0xD400;
	[dreg:$0x1c] =	wrdreg s21  }
0x20: {  	s24 =	simm.s32 $0xDC00;
	[dreg:$0x1d] =	wrdreg s22  }
0x21: {  	s25 =	simm.s32 $0xE400;
	[dreg:$0x1e] =	wrdreg s24  }
0x22: {  	s26 =	simm.s32 $0xEC00;
	[dreg:$0x1f] =	wrdreg s25  }
0x23: {  	s23 =	sshll.u32 s6, $0x1;
	s6 =	simm.s32 $0xFC00;
	[smem:$0x7E7] =	sst s26  }
0x24: {  	s7 =	simm.s32 $0x10400;
	[smem:$0x7E8] =	sst s6  }
0x25: {  	s8 =	simm.s32 $0x10C00;
	[smem:$0x7E9] =	sst s7  }
0x26: {  	s9 =	simm.s32 $0x11400;
	[smem:$0x7EA] =	sst s8  }
0x27: {  	s11 =	simm.s32 $0x11C00;
	[smem:$0x7EB] =	sst s9  }
0x28: {  	s28 =	simm.s32 $0x1;
	s12 =	simm.s32 $0x12400;
	[smem:$0x7EC] =	sst s11  }
0x29: {  	s29 =	simm.s32 $0x2;
	s13 =	simm.s32 $0x12C00;
	[smem:$0x7EE] =	sst s12  }
0x2a: {  	s30 =	simm.s32 $0x3;
	s14 =	simm.s32 $0x13400;
	[smem:$0x7EF] =	sst s13  }
0x2b: {  	s31 =	simm.s32 $0x4;
	s15 =	simm.s32 $0x13C00;
	[smem:$0x7F0] =	sst s14  }
0x2c: {  	s4 =	smul.u32 $0xA00, s4;
	s16 =	simm.s32 $0x14400;
	[smem:$0x7F1] =	sst s15  }
0x2d: {  	s17 =	simm.s32 $0x14C00;
	s18 =	simm.s32 $0x15400;
	[smem:$0x7F2] =	sst s16  }
0x2e: {  	s4 =	sadd.s32 s4, s5;
	s3 =	sadd.s32 $0x191800, s0;
	[smem:$0x7F3] =	sst s17  }
0x2f: {  	s5 =	simm.s32 $0x5400;
	s6 =	sadd.s32 $0x191A00, s0;
	[smem:$0x7F4] =	sst s18  }
0x30: {  	s7 =	sadd.s32 $0x191B00, s0;
	s8 =	sadd.s32 $0x191C00, s0;
	[dreg:$0x2] =	wrdreg s4  }
0x31: {  	s9 =	sadd.s32 $0x191D00, s0;
	s19 =	simm.s32 $0x15C00;
	[dreg:$0xd] =	wrdreg s5  }
0x32: {  	s11 =	sadd.s32 $0x191F00, s0;
	s20 =	simm.s32 $0x16400;
	[smem:$0x7F5] =	sst s19  }
0x33: {  	s12 =	sadd.s32 $0x192000, s0;
	s21 =	simm.s32 $0x16C00;
	[smem:$0x7F6] =	sst s20  }
0x34: {  	s13 =	sadd.s32 $0x192100, s0;
	s22 =	simm.s32 $0x17400;
	[smem:$0x7F7] =	sst s21  }
0x35: {  	s24 =	simm.s32 $0x18400;
	s16 =	simm.s32 $0x400;
	[smem:$0x7F9] =	sst s22  }
0x36: {  	s25 =	simm.s32 $0x18C00;
	s17 =	simm.s32 $0xF400;
	[smem:$0x7FB] =	sst s24  }
0x37: {  	s26 =	simm.s32 $0x19400;
	s18 =	simm.s32 $0x19C00;
	[smem:$0x7FC] =	sst s25  }
0x38: {  	s4 =	simm.s32 $0x4C00;
	s5 =	sadd.s32 $0x191900, s0;
	[smem:$0x7FD] =	sst s26  }
0x39: {  	s19 =	simm.s32 $0x1A400;
	s20 =	simm.s32 $0x1AC00;
	s21 =	simm.s32 $0x1B400  }
0x3a: {  	s22 =	simm.s32 $0x1BC00;
	[dreg:$0xc] =	wrdreg s4;
	s4 =	sor.u32 s1, s23  }
0x3b: {  	s24 =	simm.s32 $0x1CC00;
	s1 =	ssub.s32 $0x2, s1;
	s4 =	smul.u32 $0x3C0, s4  }
0x3c: {  	s25 =	simm.s32 $0x1D400;
	s26 =	simm.s32 $0x1DC00;
	s10 =	sshrl.u32 s1, $0x1  }
0x3d: {  	s23 =	simm.s32 $0x17C00;
	s1 =	ssub.s32 s1, s10;
	s4 =	sshrl.u32 s4, $0x3  }
0x3e: {  	v2 =	vlaneseq.u32;
	[smem:$0x7FA] =	sst s23;
	s1 =	smax.u32 s1, $0x1;
	s4 =	sadd.s32 s4, s0  }
0x3f: {  	vm0 =	vmmov $0xffff;
	v1 =	vshrl.u32 v2, $0x3;
	s23 =	simm.s32 $0x1C400;
	[smem:$0x7F8] =	sst s1;
	s4 =	sadd.s32 $0x1800, s4  }
0x40: {  	v0 =	vand.u32 $0x7, v2;
	v2 =	vor.u32 $0x8, v2;
	v1 =	vmul.u32 $0x8, v1;
	s10 =	sadd.s32 $0x191E00, s0;
	s1 =	simm.s32 $0x0;
	[smem:$0x7ED] =	sst s4  }
.LBB2_1:
0x41: {  	s0 =	sld [smem:$0x7ED];
	_ =	sdelay $0x1  }
0x42: {  	s15 =	simm.s32 $0x5  }
0x43: {  	[tilespmem:s2], [sflag:$0x5] =	stream.linear.gather [hbm4b:s0+s2], $0x3C0, $0x38;
	[tilespmem:$0x1E400] =	vst v63  }
0x44: {  	_ =	swait.ge [sflag:s15], $0x3C0  }
0x45: {  	[sflag:s15] =	ssyncset.done $0x0  }
0x46: {  	s4 =	simm.s32 $0x0;
	s0 =	simm.s32 $0x18;
	[sflag:s15] =	ssyncadd.s32 $0xFFFFFC40  }
.LBB2_2:
0x47: {  	p0 =	seq.s32 s4, $0x0  }
0x48: {  	s14 =	simm.s32 @!p0 $0x3  }
0x49: {  	_ =	swait.ge @!p0 [sflag:s14], $0xF000  }
0x4a: {  	[sflag:s14] =	ssyncset.done @!p0 $0x0  }
0x4b: {  	[sflag:s14] =	ssyncadd.s32 @!p0 $0xFFFF1000  }
0x4c: {  	v3 =	vld [tilespmem:s0+$0xFFFFFFE8];
	_ =	sdelay $0x4  }
0x4d: {  	v4 =	vshrl.u32 v3, $0x3  }
0x4e: {  	v4 =	vmul.u32 $0xA0, v4  }
0x4f: {  	v3 =	vand.u32 $0x7, v3  }
0x50: {  	v3 =	vor.u32 v3, v4  }
0x51: {  	v4 =	vperm.xlane v3, v0;
	_ =	sdelay $0x1  }
0x52: {  	v4 =	vadd.s32 v1, v4;
	_ =	sdelay $0x4  }
0x53: {  	[tilespmem:s16], [sflag:$0x1] =	stream.indirect_vreg.gather [hbm4b:s3+s2], $0x80, v4, vm0, $0xb8;
	[tilespmem:$0x1E400] =	vst v63  }
0x54: {  	s14 =	rddreg [dreg:$0x4]  }
0x55: {  	[tilespmem:s14], [sflag:$0x1] =	stream.indirect_vreg.gather [hbm4b:s5+s2], $0x80, v4, vm0, $0xb8;
	[tilespmem:$0x1E400] =	vst v63  }
0x56: {  	s15 =	rddreg [dreg:$0x5]  }
0x57: {  	[tilespmem:s15], [sflag:$0x1] =	stream.indirect_vreg.gather [hbm4b:s6+s2], $0x80, v4, vm0, $0xb8;
	[tilespmem:$0x1E400] =	vst v63  }
0x58: {  	s14 =	rddreg [dreg:$0x6]  }
0x59: {  	[tilespmem:s14], [sflag:$0x1] =	stream.indirect_vreg.gather [hbm4b:s7+s2], $0x80, v4, vm0, $0xb8;
	[tilespmem:$0x1E400] =	vst v63  }
0x5a: {  	s15 =	rddreg [dreg:$0x7]  }
0x5b: {  	[tilespmem:s15], [sflag:$0x1] =	stream.indirect_vreg.gather [hbm4b:s8+s2], $0x80, v4, vm0, $0xb8;
	[tilespmem:$0x1E400] =	vst v63  }
0x5c: {  	s14 =	rddreg [dreg:$0x8]  }
0x5d: {  	[tilespmem:s14], [sflag:$0x1] =	stream.indirect_vreg.gather [hbm4b:s9+s2], $0x80, v4, vm0, $0xb8;
	[tilespmem:$0x1E400] =	vst v63  }
0x5e: {  	s15 =	rddreg [dreg:$0x9]  }
0x5f: {  	[tilespmem:s15], [sflag:$0x1] =	stream.indirect_vreg.gather [hbm4b:s10+s2], $0x80, v4, vm0, $0xb8;
	[tilespmem:$0x1E400] =	vst v63  }
0x60: {  	v3 =	vperm.xlane v3, v2;
	s14 =	rddreg [dreg:$0xa]  }
0x61: {  	[tilespmem:s14], [sflag:$0x1] =	stream.indirect_vreg.gather [hbm4b:s11+s2], $0x80, v4, vm0, $0xb8;
	[tilespmem:$0x1E400] =	vst v63  }
0x62: {  	v3 =	vadd.s32 v1, v3;
	s15 =	rddreg [dreg:$0xb]  }
0x63: {  	[tilespmem:s15], [sflag:$0x1] =	stream.indirect_vreg.gather [hbm4b:s12+s2], $0x80, v4, vm0, $0xb8;
	[tilespmem:$0x1E400] =	vst v63  }
0x64: {  	s14 =	rddreg [dreg:$0xc]  }
0x65: {  	[tilespmem:s14], [sflag:$0x1] =	stream.indirect_vreg.gather [hbm4b:s13+s2], $0x80, v4, vm0, $0xb8;
	[tilespmem:$0x1E400] =	vst v63  }
0x66: {  	s15 =	rddreg [dreg:$0xd]  }
0x67: {  	[tilespmem:s15], [sflag:$0x1] =	stream.indirect_vreg.gather [hbm4b:s3+s2], $0x80, v3, vm0, $0xb8;
	[tilespmem:$0x1E400] =	vst v63  }
0x68: {  	s14 =	rddreg [dreg:$0xe]  }
0x69: {  	[tilespmem:s14], [sflag:$0x1] =	stream.indirect_vreg.gather [hbm4b:s5+s2], $0x80, v3, vm0, $0xb8;
	[tilespmem:$0x1E400] =	vst v63  }
0x6a: {  	s15 =	rddreg [dreg:$0xf]  }
0x6b: {  	[tilespmem:s15], [sflag:$0x1] =	stream.indirect_vreg.gather [hbm4b:s6+s2], $0x80, v3, vm0, $0xb8;
	[tilespmem:$0x1E400] =	vst v63  }
0x6c: {  	s14 =	rddreg [dreg:$0x10]  }
0x6d: {  	[tilespmem:s14], [sflag:$0x1] =	stream.indirect_vreg.gather [hbm4b:s7+s2], $0x80, v3, vm0, $0xb8;
	[tilespmem:$0x1E400] =	vst v63  }
0x6e: {  	s15 =	rddreg [dreg:$0x11]  }
0x6f: {  	[tilespmem:s15], [sflag:$0x1] =	stream.indirect_vreg.gather [hbm4b:s8+s2], $0x80, v3, vm0, $0xb8;
	[tilespmem:$0x1E400] =	vst v63  }
0x70: {  	s14 =	rddreg [dreg:$0x12]  }
0x71: {  	[tilespmem:s14], [sflag:$0x1] =	stream.indirect_vreg.gather [hbm4b:s9+s2], $0x80, v3, vm0, $0xb8;
	[tilespmem:$0x1E400] =	vst v63  }
0x72: {  	s15 =	rddreg [dreg:$0x13]  }
0x73: {  	[tilespmem:s15], [sflag:$0x1] =	stream.indirect_vreg.gather [hbm4b:s10+s2], $0x80, v3, vm0, $0xb8;
	[tilespmem:$0x1E400] =	vst v63  }
0x74: {  	s14 =	rddreg [dreg:$0x14]  }
0x75: {  	[tilespmem:s14], [sflag:$0x1] =	stream.indirect_vreg.gather [hbm4b:s11+s2], $0x80, v3, vm0, $0xb8;
	[tilespmem:$0x1E400] =	vst v63  }
0x76: {  	s15 =	rddreg [dreg:$0x15]  }
0x77: {  	[tilespmem:s15], [sflag:$0x1] =	stream.indirect_vreg.gather [hbm4b:s12+s2], $0x80, v3, vm0, $0xb8;
	[tilespmem:$0x1E400] =	vst v63  }
0x78: {  	s14 =	rddreg [dreg:$0x16]  }
0x79: {  	[tilespmem:s14], [sflag:$0x1] =	stream.indirect_vreg.gather [hbm4b:s13+s2], $0x80, v3, vm0, $0xb8;
	[tilespmem:$0x1E400] =	vst v63  }
0x7a: {  	v3 =	vld.msk [tilespmem:s0+$0xFFFFFFF8], $0xff;
	_ =	sdelay $0x4  }
0x7b: {  	v61 =	vshrl.u32 v3, $0x3  }
0x7c: {  	v4 =	vmul.u32 $0xA0, v61  }
0x7d: {  	v3 =	vand.u32 $0x7, v3  }
0x7e: {  	v3 =	vor.u32 v3, v4  }
0x7f: {  	v3 =	vperm.xlane v3, v0;
	_ =	sdelay $0x1  }
0x80: {  	v3 =	vadd.s32 v1, v3;
	_ =	sdelay $0x2  }
0x81: {  	s15 =	rddreg [dreg:$0x18]  }
0x82: {  	s14 =	rddreg [dreg:$0x17]  }
0x83: {  	[tilespmem:s14], [sflag:$0x1] =	stream.indirect_vreg.gather [hbm4b:s3+s2], $0x80, v3, vm0, $0xb8;
	[tilespmem:$0x1E400] =	vst v63  }
0x84: {  	s14 =	rddreg [dreg:$0x19]  }
0x85: {  	[tilespmem:s15], [sflag:$0x1] =	stream.indirect_vreg.gather [hbm4b:s5+s2], $0x80, v3, vm0, $0xb8;
	[tilespmem:$0x1E400] =	vst v63  }
0x86: {  	s15 =	rddreg [dreg:$0x1a]  }
0x87: {  	[tilespmem:s14], [sflag:$0x1] =	stream.indirect_vreg.gather [hbm4b:s6+s2], $0x80, v3, vm0, $0xb8;
	[tilespmem:$0x1E400] =	vst v63  }
0x88: {  	s14 =	rddreg [dreg:$0x1b]  }
0x89: {  	[tilespmem:s15], [sflag:$0x1] =	stream.indirect_vreg.gather [hbm4b:s7+s2], $0x80, v3, vm0, $0xb8;
	[tilespmem:$0x1E400] =	vst v63  }
0x8a: {  	s15 =	rddreg [dreg:$0x1c]  }
0x8b: {  	[tilespmem:s14], [sflag:$0x1] =	stream.indirect_vreg.gather [hbm4b:s8+s2], $0x80, v3, vm0, $0xb8;
	[tilespmem:$0x1E400] =	vst v63  }
0x8c: {  	s14 =	rddreg [dreg:$0x1d]  }
0x8d: {  	[tilespmem:s15], [sflag:$0x1] =	stream.indirect_vreg.gather [hbm4b:s9+s2], $0x80, v3, vm0, $0xb8;
	[tilespmem:$0x1E400] =	vst v63  }
0x8e: {  	s15 =	rddreg [dreg:$0x1e]  }
0x8f: {  	[tilespmem:s14], [sflag:$0x1] =	stream.indirect_vreg.gather [hbm4b:s10+s2], $0x80, v3, vm0, $0xb8;
	[tilespmem:$0x1E400] =	vst v63  }
0x90: {  	s14 =	rddreg [dreg:$0x1f]  }
0x91: {  	[tilespmem:s15], [sflag:$0x1] =	stream.indirect_vreg.gather [hbm4b:s11+s2], $0x80, v3, vm0, $0xb8;
	[tilespmem:$0x1E400] =	vst v63  }
0x92: {  	s15 =	sld [smem:$0x7E7]  }
0x93: {  	[tilespmem:s14], [sflag:$0x1] =	stream.indirect_vreg.gather [hbm4b:s12+s2], $0x80, v3, vm0, $0xb8;
	[tilespmem:$0x1E400] =	vst v63  }
0x94: {  	s14 =	simm.s32 @!p0 $0x4  }
0x95: {  	[tilespmem:s15], [sflag:$0x1] =	stream.indirect_vreg.gather [hbm4b:s13+s2], $0x80, v3, vm0, $0xb8;
	[tilespmem:$0x1E400] =	vst v63  }
0x96: {  	_ =	swait.ge @!p0 [sflag:s14], $0xF000  }
0x97: {  	[sflag:s14] =	ssyncset.done @!p0 $0x0  }
0x98: {  	[sflag:s14] =	ssyncadd.s32 @!p0 $0xFFFF1000  }
0x99: {  	v3 =	vld [tilespmem:s0+$0x0];
	_ =	sdelay $0x4  }
0x9a: {  	v62 =	vshrl.u32 v3, $0x3  }
0x9b: {  	v4 =	vmul.u32 $0xA0, v62  }
0x9c: {  	v3 =	vand.u32 $0x7, v3  }
0x9d: {  	v3 =	vor.u32 v3, v4  }
0x9e: {  	v4 =	vperm.xlane v3, v0;
	_ =	sdelay $0x1  }
0x9f: {  	v4 =	vadd.s32 v1, v4;
	_ =	sdelay $0x3  }
0xa0: {  	s14 =	sld [smem:$0x7E8]  }
0xa1: {  	[tilespmem:s17], [sflag:$0x2] =	stream.indirect_vreg.gather [hbm4b:s3+s2], $0x80, v4, vm0, $0xb8;
	[tilespmem:$0x1E400] =	vst v63  }
0xa2: {  	s15 =	sld [smem:$0x7E9]  }
0xa3: {  	[tilespmem:s14], [sflag:$0x2] =	stream.indirect_vreg.gather [hbm4b:s5+s2], $0x80, v4, vm0, $0xb8;
	[tilespmem:$0x1E400] =	vst v63  }
0xa4: {  	s14 =	sld [smem:$0x7EA]  }
0xa5: {  	[tilespmem:s15], [sflag:$0x2] =	stream.indirect_vreg.gather [hbm4b:s6+s2], $0x80, v4, vm0, $0xb8;
	[tilespmem:$0x1E400] =	vst v63  }
0xa6: {  	s15 =	sld [smem:$0x7EB]  }
0xa7: {  	[tilespmem:s14], [sflag:$0x2] =	stream.indirect_vreg.gather [hbm4b:s7+s2], $0x80, v4, vm0, $0xb8;
	[tilespmem:$0x1E400] =	vst v63  }
0xa8: {  	s14 =	sld [smem:$0x7EC]  }
0xa9: {  	[tilespmem:s15], [sflag:$0x2] =	stream.indirect_vreg.gather [hbm4b:s8+s2], $0x80, v4, vm0, $0xb8;
	[tilespmem:$0x1E400] =	vst v63  }
0xaa: {  	s15 =	sld [smem:$0x7EE]  }
0xab: {  	[tilespmem:s14], [sflag:$0x2] =	stream.indirect_vreg.gather [hbm4b:s9+s2], $0x80, v4, vm0, $0xb8;
	[tilespmem:$0x1E400] =	vst v63  }
0xac: {  	s14 =	sld [smem:$0x7EF]  }
0xad: {  	[tilespmem:s15], [sflag:$0x2] =	stream.indirect_vreg.gather [hbm4b:s10+s2], $0x80, v4, vm0, $0xb8;
	[tilespmem:$0x1E400] =	vst v63  }
0xae: {  	v3 =	vperm.xlane v3, v2;
	s15 =	sld [smem:$0x7F0]  }
0xaf: {  	[tilespmem:s14], [sflag:$0x2] =	stream.indirect_vreg.gather [hbm4b:s11+s2], $0x80, v4, vm0, $0xb8;
	[tilespmem:$0x1E400] =	vst v63  }
0xb0: {  	v3 =	vadd.s32 v1, v3;
	s14 =	sld [smem:$0x7F1]  }
0xb1: {  	[tilespmem:s15], [sflag:$0x2] =	stream.indirect_vreg.gather [hbm4b:s12+s2], $0x80, v4, vm0, $0xb8;
	[tilespmem:$0x1E400] =	vst v63  }
0xb2: {  	s15 =	sld [smem:$0x7F2]  }
0xb3: {  	[tilespmem:s14], [sflag:$0x2] =	stream.indirect_vreg.gather [hbm4b:s13+s2], $0x80, v4, vm0, $0xb8;
	[tilespmem:$0x1E400] =	vst v63  }
0xb4: {  	s14 =	sld [smem:$0x7F3]  }
0xb5: {  	[tilespmem:s15], [sflag:$0x2] =	stream.indirect_vreg.gather [hbm4b:s3+s2], $0x80, v3, vm0, $0xb8;
	[tilespmem:$0x1E400] =	vst v63  }
0xb6: {  	s15 =	sld [smem:$0x7F4]  }
0xb7: {  	[tilespmem:s14], [sflag:$0x2] =	stream.indirect_vreg.gather [hbm4b:s5+s2], $0x80, v3, vm0, $0xb8;
	[tilespmem:$0x1E400] =	vst v63  }
0xb8: {  	s14 =	sld [smem:$0x7F5]  }
0xb9: {  	[tilespmem:s15], [sflag:$0x2] =	stream.indirect_vreg.gather [hbm4b:s6+s2], $0x80, v3, vm0, $0xb8;
	[tilespmem:$0x1E400] =	vst v63  }
0xba: {  	s15 =	sld [smem:$0x7F6]  }
0xbb: {  	[tilespmem:s14], [sflag:$0x2] =	stream.indirect_vreg.gather [hbm4b:s7+s2], $0x80, v3, vm0, $0xb8;
	[tilespmem:$0x1E400] =	vst v63  }
0xbc: {  	s14 =	sld [smem:$0x7F7]  }
0xbd: {  	[tilespmem:s15], [sflag:$0x2] =	stream.indirect_vreg.gather [hbm4b:s8+s2], $0x80, v3, vm0, $0xb8;
	[tilespmem:$0x1E400] =	vst v63  }
0xbe: {  	s15 =	sld [smem:$0x7F9]  }
0xbf: {  	[tilespmem:s14], [sflag:$0x2] =	stream.indirect_vreg.gather [hbm4b:s9+s2], $0x80, v3, vm0, $0xb8;
	[tilespmem:$0x1E400] =	vst v63  }
0xc0: {  	s14 =	sld [smem:$0x7FA]  }
0xc1: {  	[tilespmem:s15], [sflag:$0x2] =	stream.indirect_vreg.gather [hbm4b:s10+s2], $0x80, v3, vm0, $0xb8;
	[tilespmem:$0x1E400] =	vst v63  }
0xc2: {  	s15 =	sld [smem:$0x7FB]  }
0xc3: {  	[tilespmem:s14], [sflag:$0x2] =	stream.indirect_vreg.gather [hbm4b:s11+s2], $0x80, v3, vm0, $0xb8;
	[tilespmem:$0x1E400] =	vst v63  }
0xc4: {  	s14 =	sld [smem:$0x7FC]  }
0xc5: {  	[tilespmem:s15], [sflag:$0x2] =	stream.indirect_vreg.gather [hbm4b:s12+s2], $0x80, v3, vm0, $0xb8;
	[tilespmem:$0x1E400] =	vst v63  }
0xc6: {  	_ = 	snop  }
0xc7: {  	[tilespmem:s14], [sflag:$0x2] =	stream.indirect_vreg.gather [hbm4b:s13+s2], $0x80, v3, vm0, $0xb8;
	[tilespmem:$0x1E400] =	vst v63  }
0xc8: {  	v3 =	vld.msk [tilespmem:s0+$0x10], $0xff;
	_ =	sdelay $0x4  }
0xc9: {  	v63 =	vshrl.u32 v3, $0x3  }
0xca: {  	v4 =	vmul.u32 $0xA0, v63  }
0xcb: {  	v3 =	vand.u32 $0x7, v3  }
0xcc: {  	v3 =	vor.u32 v3, v4  }
0xcd: {  	v3 =	vperm.xlane v3, v0;
	_ =	sdelay $0x1  }
0xce: {  	v3 =	vadd.s32 v1, v3;
	_ =	sdelay $0x1  }
0xcf: {  	s15 =	sld [smem:$0x7FD];
	_ =	sdelay $0x2  }
0xd0: {  	[tilespmem:s15], [sflag:$0x2] =	stream.indirect_vreg.gather [hbm4b:s3+s2], $0x80, v3, vm0, $0xb8;
	[tilespmem:$0x1E400] =	vst v63  }
0xd1: {  	_ = 	snop  }
0xd2: {  	[tilespmem:s18], [sflag:$0x2] =	stream.indirect_vreg.gather [hbm4b:s5+s2], $0x80, v3, vm0, $0xb8;
	[tilespmem:$0x1E400] =	vst v63  }
0xd3: {  	_ = 	snop  }
0xd4: {  	[tilespmem:s19], [sflag:$0x2] =	stream.indirect_vreg.gather [hbm4b:s6+s2], $0x80, v3, vm0, $0xb8;
	[tilespmem:$0x1E400] =	vst v63  }
0xd5: {  	_ = 	snop  }
0xd6: {  	[tilespmem:s20], [sflag:$0x2] =	stream.indirect_vreg.gather [hbm4b:s7+s2], $0x80, v3, vm0, $0xb8;
	[tilespmem:$0x1E400] =	vst v63  }
0xd7: {  	_ = 	snop  }
0xd8: {  	[tilespmem:s21], [sflag:$0x2] =	stream.indirect_vreg.gather [hbm4b:s8+s2], $0x80, v3, vm0, $0xb8;
	[tilespmem:$0x1E400] =	vst v63  }
0xd9: {  	_ = 	snop  }
0xda: {  	[tilespmem:s22], [sflag:$0x2] =	stream.indirect_vreg.gather [hbm4b:s9+s2], $0x80, v3, vm0, $0xb8;
	[tilespmem:$0x1E400] =	vst v63  }
0xdb: {  	_ = 	snop  }
0xdc: {  	[tilespmem:s23], [sflag:$0x2] =	stream.indirect_vreg.gather [hbm4b:s10+s2], $0x80, v3, vm0, $0xb8;
	[tilespmem:$0x1E400] =	vst v63  }
0xdd: {  	_ = 	snop  }
0xde: {  	[tilespmem:s24], [sflag:$0x2] =	stream.indirect_vreg.gather [hbm4b:s11+s2], $0x80, v3, vm0, $0xb8;
	[tilespmem:$0x1E400] =	vst v63  }
0xdf: {  	_ = 	snop  }
0xe0: {  	[tilespmem:s25], [sflag:$0x2] =	stream.indirect_vreg.gather [hbm4b:s12+s2], $0x80, v3, vm0, $0xb8;
	[tilespmem:$0x1E400] =	vst v63  }
0xe1: {  	_ = 	snop  }
0xe2: {  	[tilespmem:s26], [sflag:$0x2] =	stream.indirect_vreg.gather [hbm4b:s13+s2], $0x80, v3, vm0, $0xb8;
	[tilespmem:$0x1E400] =	vst v63  }
0xe3: {  	_ =	swait.ge [sflag:s28], $0xF000  }
0xe4: {  	s15 =	rddreg [dreg:$0x3];
	[sflag:s28] =	ssyncset.done $0x0  }
0xe5: {  	[sflag:s28] =	ssyncadd.s32 $0xFFFF1000;
	s14 =	sadd.s32 s4, s15  }
0xe6: {  	[hbm4b:s14+s2] =	stream.linear.scatter [tilespmem:s16], [sflag:$0x3], $0xF000, $0x38;
	[tilespmem:$0x1E400] =	vst v63  }
0xe7: {  	_ =	swait.ge [sflag:s29], $0xF000  }
0xe8: {  	s15 =	rddreg [dreg:$0x2]  }
0xe9: {  	s14 =	sadd.s32 s4, s15;
	s4 =	sadd.s32 $0x3C00, s4  }
0xea: {  	p0 =	sne.s32 s4, $0x4B000  }
.Ltmp0:
0xeb: {  	_ = 	snop;
	(pc) =	sbr.rel @p0 .LBB2_2-.Ltmp0, $4  }
0xec: {  	_ = 	snop  }
0xed: {  	[sflag:s29] =	ssyncset.done $0x0  }
0xee: {  	s0 =	sadd.s32 $0x30, s0;
	[sflag:s29] =	ssyncadd.s32 $0xFFFF1000  }
0xef: {  	[hbm4b:s14+s2] =	stream.linear.scatter [tilespmem:s17], [sflag:$0x4], $0xF000, $0x38;
	[tilespmem:$0x1E400] =	vst v63  }
0xf0: {  	_ =	swait.ge [sflag:s30], $0xF000  }
0xf1: {  	[sflag:s30] =	ssyncset.done $0x0  }
0xf2: {  	[sflag:s30] =	ssyncadd.s32 $0xFFFF1000  }
0xf3: {  	_ =	swait.ge [sflag:s31], $0xF000  }
0xf4: {  	s0 =	sld [smem:$0x7F8];
	_ =	sdelay $0x1  }
0xf5: {  	s1 =	sadd.s32 $0x1, s1  }
0xf6: {  	p0 =	sne.s32 s1, s0  }
.Ltmp1:
0xf7: {  	_ = 	snop;
	(pc) =	sbr.rel @p0 .LBB2_1-.Ltmp1, $3  }
0xf8: {  	_ =	sdelay $0x1  }
0xf9: {  	[sflag:s31] =	ssyncset.done $0x0  }
0xfa: {  	[sflag:s31] =	ssyncadd.s32 $0xFFFF1000  }
0xfb: {  	_ =	sfence.sel $0x180000  }
0xfc: {  	[bflag:$0x0] =	sbarrier.arrive $0xFFFF  }
0xfd: {  	_ =	strace $0x9000004A  }
0xfe: {  	s0 =	stileid.u32;
	[bflag:$0x2] =	sbarrier.arrive $0xFFFF  }
0xff: {  	p0 =	sne.s32 s0, $0x0;
	s0 =	rddreg [dreg:$0x1]  }
0x100: {  	s0 =	sadd.s32 @!p0 $0x100000, s0  }
0x101: {  	[sflag:s0] =	ssyncadd.tile.s32 @!p0 $0x1;
	_ =	shalt  }
.Lfunc_end2:
_tile_overlayer_lowered:
.L_overlay_start_2:
0x102: {  	(tag) =	ssettag $0x2  }
0x103: {  	s0 =	rddreg [dreg:$0x0];
	s2 =	stileid.u32  }
0x104: {  	s1 =	rddreg [dreg:$0x1];
	p0 =	sne.s32 s2, $0x0  }
0x105: {  	s3 =	rddreg [dreg:$0x2];
	[bflag:$0x3] =	sbarrier.arrive $0xFFFF;
	s2 =	simm.s32 @!p0 $0x1C05  }
0x106: {  	[timem:s3], [sflag:s2] =	dma.local @!p0 [hbm:s0], s1  }
0x107: {  	s0 =	simm.s32 @!p0 $0x5  }
0x108: {  	_ =	swait.ge @!p0 [sflag:s0], s1  }
0x109: {  	s1 =	ssub.s32 @!p0 $0x0, s1;
	[sflag:s0] =	ssyncset.done @!p0 $0x0  }
0x10a: {  	[sflag:s0] =	ssyncadd.s32 @!p0 s1  }
0x10b: {  	[bflag:$0x3] =	sbarrier.arrive $0xFFFF  }
0x10c: {  	_ =	shalt  }

// kernel: sparse-core-data-format-call.1.cloned.1.call-start
scs
called_computation.1_lowered:
.L_overlay_start_0:
0x0: {  	s2 =	sld [smem:$0x3FD9]  }
0x1: {  	s3 =	sld [smem:$0x3FFE];
	_ =	sdelay $0x1  }
0x2: {  	s1 =	srdreg.scid  }
0x3: {  	s0 =	sand.u32 $0x1, s1  }
0x4: {  	s19 =	sshll.u32 s0, $0xA;
	s2 =	sadd.s32 s3, s2  }
0x5: {  	s2 =	sadd.s32 s2, s19  }
0x6: {  	[smem:$0x3FC5] =	sst s2  }
0x7: {  	_ = 	snop  }
0x8: {  	s2 =	sld [smem:$0x3FC9]  }
0x9: {  	s20 =	sld [smem:$0x3FD0];
	(tm) =	ssettm $0x1  }
0xa: {  	s4 =	sld [smem:$0x3FFB];
	_ =	sdelay $0x3  }
0xb: {  	_ =	strace s4  }
0xc: {  	s4 =	sld [smem:$0x3FFC];
	_ =	sdelay $0x3  }
0xd: {  	_ =	strace s4  }
0xe: {  	s4 =	sld [smem:$0x3FFD];
	_ =	sdelay $0x3  }
0xf: {  	_ =	strace s4  }
0x10: {  	_ =	strace $0x8FFFFFFF  }
0x11: {  	s21 =	sld [smem:$0x3FDB];
	_ =	sdelay $0x1  }
0x12: {  	s5 =	simm.s32 $_scs_section_size  }
0x13: {  	s6 =	simm.s32 $_size__tile_overlayer_lowered;
	s7 =	simm.s32 $_tile_overlayer_lowered  }
0x14: {  	s24 =	simm.s32 $0x1BFF;
	s23 =	sshll.u32 s7, $0x1;
	s4 =	sadd.s32 s5, s21  }
0x15: {  	s8 =	simm.s32 $0x0;
	s22 =	sshll.u32 s6, $0x1;
	s6 =	sadd.s32 s23, s4  }
0x16: {  	[timem:s8], [sflag:s24] =	dma.local [hbm:s6], s22  }
0x17: {  	_ =	swait.ge [sflag:s24], s22  }
0x18: {  	s5 =	ssub.s32 $0x0, s22;
	[sflag:s24] =	ssyncset.done $0x0  }
0x19: {  	[sflag:s24] =	ssyncadd.s32 s5;
	_ =	sdelay $0x1  }
0x1a: {  	s25 =	simm.s32 $0x1B8B  }
0x1b: {  	_ =	swait.ge [sflag:s25], $0x1  }
0x1c: {  	[sflag:s25] =	ssyncset.done $0x0  }
0x1d: {  	s26 =	simm.s32 $0x1B8E;
	[sflag:s25] =	ssyncadd.s32 $0xFFFFFFFF  }
0x1e: {  	s27 =	simm.s32 $execute0_lowered;
	[smem:$0x3FD2] =	sst s26  }
0x1f: {  	s5 =	sshll.u32 s27, $0x1;
	_ =	strace $0x80000046;
	[dreg:$0x1] =	wrdreg $0xFFFFFFFF  }
0x20: {  	s28 =	simm.s32 $_size_execute0_lowered;
	s4 =	sadd.s32 s4, s5;
	[dreg:$0x0] =	wrdreg $0x0  }
0x21: {  	s5 =	sshll.u32 s28, $0x1;
	[dreg:$0x2] =	wrdreg s4  }
0x22: {  	[dreg:$0x3] =	wrdreg s5  }
0x23: {  	[dreg:$0x4] =	wrdreg $0xC0  }
0x24: {  	_ =	task [dreg:s8], $0x5FFFF  }
0x25: {  	[dreg:$0x1] =	wrdreg $0xFFFFFFFF  }
0x26: {  	[dreg:$0x0] =	wrdreg $0x60  }
0x27: {  	[dreg:$0x2] =	wrdreg s2  }
0x28: {  	[dreg:$0x3] =	wrdreg s20  }
0x29: {  	[dreg:$0x4] =	wrdreg $0x9  }
0x2a: {  	_ =	task.clear_ibuf [dreg:s8], $0x5FFFF;
	_ =	strace $0x90000046  }
0x2b: {  	s29 =	simm.s32 $0x9;
	_ =	strace $0x80000048  }
0x2c: {  	_ =	swait.ge [sflag:s29], $0x1  }
0x2d: {  	[sflag:s29] =	ssyncadd.s32 $0xFFFFFFFF  }
0x2e: {  	_ =	strace $0x90000048  }
0x2f: {  	_ =	sfence  }
0x30: {  	s30 =	sld [smem:$0x0];
	_ =	sdelay $0x2  }
0x31: {  	s31 =	sshll.u32 s1, $0xD;
	s1 =	sshrl.u32 s1, $0x2  }
0x32: {  	s3 =	sand.u32 $0x4000, s31;
	s1 =	sadd.s32 s1, s30  }
0x33: {  	s0 =	sor.u32 s3, s0;
	s1 =	sshll.u32 s1, $0x11  }
0x34: {  	s0 =	sor.u32 s1, s0  }
0x35: {  	s0 =	sadd.s32 $0x8F2B, s0  }
0x36: {  	[sflag:s0] =	ssyncadd.remote.s32 $0x1  }
0x37: {  	_ =	sfence.sel $0xFFFF  }
0x38: {  	[dreg:$0x0] =	wrdreg $0xFFFFFFFF;
	(pc) =	sbr.abs _section_cstart, $3  }
0x39: {  	[dreg:$0x1] =	wrdreg $0xFFFFFFFF  }
0x3a: {  	_ =	task.clear_ibuf [dreg:s8], $0x2FFFF;
	_ =	strace $0x9FFFFFFF  }
0x3b: {  	(tm) =	ssettm $0x7FFFFFFF  }
tec
execute0_lowered:
.L_overlay_start_1:
0x0: {  	(tag) =	ssettag $0x1  }
0x1: {  	s0 =	stileid.u32  }
0x2: {  	s1 =	srdreg.scid;
	s4 =	rddreg [dreg:$0x0]  }
0x3: {  	s9 =	simm.s32 $0x2;
	s18 =	simm.s32 $0x0;
	p0 =	por $0x0, $0x0  }
0x4: {  	s10 =	simm.s32 $0x1400;
	s20 =	simm.s32 $0x0;
	s19 =	simm.s32 $0x0  }
0x5: {  	s21 =	simm.s32 $0x0;
	s1 =	sand.u32 $0x1, s1;
	s2 =	sand.u32 $0x1, s0  }
0x6: {  	s22 =	simm.s32 $0x0;
	s3 =	ssub.s32 $0x2, s2;
	s5 =	ssub.s32 $0x8, s1  }
0x7: {  	s6 =	sshrl.u32 s3, $0x1;
	s3 =	sand.u32 $0x1, s3;
	s7 =	sshrl.u32 s5, $0x1  }
0x8: {  	s23 =	simm.s32 $0x0;
	s3 =	sadd.s32 s3, s6;
	s31 =	ssub.s32 s5, s7  }
0x9: {  	s11 =	simm.s32 $0x0;
	s14 =	simm.s32 $0x0;
	s7 =	smul.u32 s31, s3  }
.Ltmp0:
0xa: {  	s15 =	simm.s32 $0x0;
	s17 =	simm.s32 $0x0;
	(pc) =	sbr.rel .LBB1_1-.Ltmp0, $4  }
0xb: {  	s8 =	sshrl.u32 s0, $0x1;
	s5 =	rddreg [dreg:$0x1];
	s6 =	simm.s32 $0x1  }
0xc: {  	s3 =	rddreg [dreg:$0x2];
	_ =	strace $0x80000047;
	s7 =	smul.u32 $0x19, s7  }
0xd: {  	s12 =	smov.u32 s1;
	s13 =	smov.u32 s8;
	[sflag:s6] =	ssyncpa.u1 $0x0  }
0xe: {  	s16 =	smov.u32 s2;
	[sflag:s9] =	ssyncpa.u1 $0x0;
	s9 =	sadd.s32 $0x1, s7  }
.LBB1_4:
0xf: {  	s23 =	smul.u32 $0x190000, s23;
	_ =	sdelay $0x1  }
0x10: {  	s21 =	smul.u32 $0xA000, s21;
	s22 =	sshll.u32 s22, $0x7;
	s23 =	sadd.s32 s5, s23  }
0x11: {  	s20 =	smul.u32 $0x32000, s20;
	s22 =	sadd.s32 s22, s23  }
0x12: {  	s18 =	sshll.u32 s18, $0x4;
	s29 =	sshrl.u32 s19, $0x3;
	s21 =	sadd.s32 s21, s22  }
0x13: {  	[tilespmem:s25+$0x410 ss:$0x41] =	vst.msk $0xffff, v2;
	s31 =	sand.u32 $0x7, s19;
	s30 =	sand.u32 $0xF, s29;
	s20 =	sadd.s32 s20, s21  }
0x14: {  	[tilespmem:s25+$0x820 ss:$0x41] =	vst.msk $0xffff, v0;
	s18 =	sand.u32 $0x70, s18;
	s19 =	sshll.u32 s31, $0x12;
	s20 =	sadd.s32 s30, s20  }
0x15: {  	[tilespmem:s25+$0x0 ss:$0x41] =	vst.msk $0xffff, v1;
	s19 =	sor.u32 $0x40, s19;
	s18 =	sadd.s32 s18, s20  }
0x16: {  	[hbm4b:s18+s19] =	stream.strided.scatter [tilespmem:s24], [sflag:$0x2], $0x1000, s10, s19, $0x18;
	[tilespmem:$0x4080] =	vst v63  }
.LBB1_5:
0x17: {  	s24 =	sadd.s32 $0x2, s12  }
0x18: {  	s18 =	sadd.s32 $0x8, s13;
	s25 =	smov.u32 s13;
	p2 =	sgt.s32 s24, $0x7  }
0x19: {  	s25 =	smov.u32 @p2 s18  }
0x1a: {  	s26 =	smov.u32 s11;
	s18 =	sadd.s32 $0x40, s11;
	p3 =	sgt.s32 s25, $0x7  }
0x1b: {  	s26 =	smov.u32 @p3 s18  }
0x1c: {  	s18 =	simm.s32 $0x1;
	p4 =	sgt.s32 s26, $0x3F  }
0x1d: {  	s18 =	simm.s32 @!p4 $0x0  }
0x1e: {  	s27 =	sadd.s32 s18, s14  }
0x1f: {  	p1 =	slt.u32 s17, $0x2;
	s18 =	simm.s32 $0x1;
	p5 =	sgt.s32 s27, $0x4  }
0x20: {  	s29 =	smov.u32 s16;
	s20 =	smov.u32 s13;
	s18 =	simm.s32 @!p5 $0x0  }
0x21: {  	s19 =	smov.u32 s11;
	s21 =	smov.u32 s14;
	s28 =	sadd.s32 s18, s15  }
0x22: {  	s24 =	smov.u32 @p2 s1;
	s18 =	sadd.s32 $0x2, s16;
	p2 =	sgt.s32 s28, $0x4  }
0x23: {  	s22 =	smov.u32 s15;
	s23 =	smov.u32 s16;
	s29 =	smov.u32 @p2 s18  }
0x24: {  	s30 =	simm.s32 @!p1 $0x2;
	s28 =	simm.s32 @p2 $0x0;
	p2 =	sgt.s32 s29, $0x1  }
0x25: {  	_ =	swait.ge @!p1 [sflag:s30], $0x1000;
	s29 =	smov.u32 @p2 s2;
	p2 =	sne.s32 s17, s9  }
.Ltmp1:
0x26: {  	p0 =	por !p0, !p0;
	[sflag:s30] =	ssyncset.done @!p1 $0x0;
	(pc) =	sbr.rel @!p2 .LBB1_6-.Ltmp1, $4  }
0x27: {  	s25 =	smov.u32 @p3 s8;
	[sflag:s30] =	ssyncadd.s32 @!p1 $0xFFFFF000;
	s26 =	simm.s32 @p4 $0x0  }
0x28: {  	s13 =	smov.u32 s25;
	s11 =	smov.u32 s26;
	s27 =	simm.s32 @p5 $0x0  }
0x29: {  	s14 =	smov.u32 s27;
	s18 =	smov.u32 s12;
	s12 =	smov.u32 s24  }
0x2a: {  	s15 =	smov.u32 s28;
	s17 =	sadd.s32 $0x1, s17;
	s16 =	smov.u32 s29  }
.LBB1_1:
0x2b: {  	p1 =	sge.u32 s17, s7  }
0x2c: {  	s24 =	smul.u32 @!p1 $0x190000, s16  }
0x2d: {  	s25 =	smul.u32 @!p1 $0x50000, s15  }
0x2e: {  	s31 =	sadd.s32 $0xFFFFFFFF, s17;
	s24 =	sadd.s32 @!p1 s4, s24  }
0x2f: {  	s26 =	sxor.u32 @!p1 $0xFFFFFFFF, s17;
	s27 =	sshll.u32 @!p1 s14, $0x10;
	s24 =	sadd.s32 @!p1 s25, s24  }
0x30: {  	s25 =	sshll.u32 @!p1 s26, $0xC;
	s26 =	sshll.u32 @!p1 s11, $0xA;
	s24 =	sadd.s32 @!p1 s27, s24  }
0x31: {  	s28 =	sshll.u32 @!p1 s12, $0x4;
	s27 =	sshll.u32 @!p1 s13, $0x7;
	s24 =	sadd.s32 @!p1 s26, s24  }
0x32: {  	s25 =	sand.u32 @!p1 $0x1000, s25;
	s26 =	sand.u32 @!p1 $0x70, s28;
	s24 =	sadd.s32 @!p1 s27, s24  }
0x33: {  	s27 =	simm.s32 @!p1 $0x2000;
	s24 =	sadd.s32 @!p1 s26, s24;
	s26 =	simm.s32 @!p1 $0x40  }
0x34: {  	[tilespmem:s25], [sflag:$0x1] =	stream.strided.gather @!p1 [hbm4b:s24+s26], $0x1000, s27, s26, $0x38;
	[tilespmem:$0x4080] =	vst v63  }
0x35: {  	p1 =	sge.u32 s31, s7  }
.Ltmp2:
0x36: {  	_ = 	snop;
	(pc) =	sbr.rel @p1 .LBB1_5-.Ltmp2, $1  }
0x37: {  	_ =	sdelay $0x3  }
0x38: {  	s24 =	simm.s32 $0x1  }
0x39: {  	_ =	swait.ge [sflag:s6], $0x1000;
	s24 =	simm.s32 @!p0 $0x0  }
0x3a: {  	[sflag:s6] =	ssyncset.done $0x0;
	s25 =	sshll.u32 s24, $0xC  }
0x3b: {  	[sflag:s6] =	ssyncadd.s32 $0xFFFFF000;
	s28 =	sor.u32 $0x20, s25  }
0x3c: {  	s24 =	smul.u32 $0x4100, s24;
	v3 =	vld [tilespmem:s28+$0x10]  }
0x3d: {  	s30 =	sand.u32 $0x1, s17;
	v2 =	vld [tilespmem:s28+$0xFFFFFFF0]  }
0x3e: {  	s25 =	smul.u32 $0x4100, s30;
	s24 =	sshrl.u32 s24, $0x2;
	v0 =	vld [tilespmem:s28+$0x0]  }
0x3f: {  	v1 =	vld [tilespmem:s28+$0xFFFFFFE0];
	s26 =	sor.u32 $0x2000, s24  }
0x40: {  	s31 =	sshrl.u32 s25, $0x2;
	s25 =	sadd.s32 $0x0, s26  }
0x41: {  	s27 =	simm.s32 $0x4;
	s28 =	sadd.s32 $0x40, s28;
	s24 =	sor.u32 $0x2000, s31;
	[tilespmem:s25+$0xC30 ss:$0x41] =	vst.msk $0xffff, v3  }
.LBB1_3:
0x42: {  	v3 =	vld [tilespmem:s28+$0x10];
	p1 =	sne.s32 s27, $0xFC;
	[tilespmem:s25+$0x410 ss:$0x41] =	vst.msk $0xffff, v2;
	s29 =	smov.u32 s27;
	s27 =	sadd.s32 $0x4, s27  }
.Ltmp3:
0x43: {  	v2 =	vld [tilespmem:s28+$0xFFFFFFF0];
	[tilespmem:s25+$0x820 ss:$0x41] =	vst.msk $0xffff, v0;
	(pc) =	sbr.rel @p1 .LBB1_3-.Ltmp3, $4  }
0x44: {  	v0 =	vld [tilespmem:s28+$0x0];
	[tilespmem:s25+$0x0 ss:$0x41] =	vst.msk $0xffff, v1  }
0x45: {  	s25 =	sshra.s32 s29, $0x2;
	v1 =	vld [tilespmem:s28+$0xFFFFFFE0]  }
0x46: {  	s25 =	sadd.s32 s25, s26  }
0x47: {  	s28 =	sadd.s32 $0x40, s28;
	[tilespmem:s25+$0xC30 ss:$0x41] =	vst.msk $0xffff, v3  }
.Ltmp4:
0x48: {  	_ = 	snop;
	(pc) =	sbr.rel .LBB1_4-.Ltmp4, $1  }
0x49: {  	_ =	sdelay $0x3  }
.LBB1_6:
0x4a: {  	_ =	sfence.sel $0x180000  }
0x4b: {  	s1 =	simm.s32 $0x1;
	[bflag:$0x0] =	sbarrier.arrive $0xFFFF  }
0x4c: {  	s31 =	simm.s32 $0x2;
	[sflag:s1] =	ssyncpa.u1 $0x1  }
0x4d: {  	[sflag:s31] =	ssyncpa.u1 $0x1  }
0x4e: {  	p0 =	sne.s32 s0, $0x0;
	_ =	strace $0x90000047  }
0x4f: {  	s0 =	sadd.s32 @!p0 $0x100000, s3;
	[bflag:$0x2] =	sbarrier.arrive $0xFFFF  }
0x50: {  	[sflag:s0] =	ssyncadd.tile.s32 @!p0 $0x1;
	_ =	shalt  }
.Lfunc_end1:
_tile_overlayer_lowered:
.L_overlay_start_2:
0x51: {  	(tag) =	ssettag $0x2  }
0x52: {  	s0 =	rddreg [dreg:$0x0];
	s2 =	stileid.u32  }
0x53: {  	s1 =	rddreg [dreg:$0x1];
	p0 =	sne.s32 s2, $0x0  }
0x54: {  	s3 =	rddreg [dreg:$0x2];
	[bflag:$0x3] =	sbarrier.arrive $0xFFFF;
	s2 =	simm.s32 @!p0 $0x1C01  }
0x55: {  	[timem:s3], [sflag:s2] =	dma.local @!p0 [hbm:s0], s1  }
0x56: {  	s0 =	simm.s32 @!p0 $0x1  }
0x57: {  	_ =	swait.ge @!p0 [sflag:s0], s1  }
0x58: {  	s1 =	ssub.s32 @!p0 $0x0, s1;
	[sflag:s0] =	ssyncset.done @!p0 $0x0  }
0x59: {  	[sflag:s0] =	ssyncadd.s32 @!p0 s1  }
0x5a: {  	[bflag:$0x3] =	sbarrier.arrive $0xFFFF  }
0x5b: {  	_ =	shalt  }

// kernel: sparse-core-data-format-call.2.cloned.1.call-start
scs
called_computation.2_lowered:
.L_overlay_start_0:
0x0: {  	s2 =	sld [smem:$0x3FD9]  }
0x1: {  	s3 =	sld [smem:$0x3FFE];
	_ =	sdelay $0x1  }
0x2: {  	s1 =	srdreg.scid  }
0x3: {  	s0 =	sand.u32 $0x1, s1  }
0x4: {  	s18 =	sshll.u32 s0, $0xA;
	s2 =	sadd.s32 s3, s2  }
0x5: {  	s2 =	sadd.s32 s2, s18  }
0x6: {  	[smem:$0x3FC5] =	sst s2  }
0x7: {  	_ = 	snop  }
0x8: {  	s19 =	sld [smem:$0x3FC9];
	(tm) =	ssettm $0x1  }
0x9: {  	s20 =	sld [smem:$0x3FFB];
	_ =	sdelay $0x3  }
0xa: {  	_ =	strace s20  }
0xb: {  	s2 =	sld [smem:$0x3FFC];
	_ =	sdelay $0x3  }
0xc: {  	_ =	strace s2  }
0xd: {  	s2 =	sld [smem:$0x3FFD];
	_ =	sdelay $0x3  }
0xe: {  	_ =	strace s2  }
0xf: {  	_ =	strace $0x8FFFFFFF  }
0x10: {  	s21 =	sld [smem:$0x3FDB];
	_ =	sdelay $0x1  }
0x11: {  	s4 =	simm.s32 $_scs_section_size  }
0x12: {  	s5 =	simm.s32 $_size__tile_overlayer_lowered;
	s6 =	simm.s32 $_tile_overlayer_lowered  }
0x13: {  	s7 =	simm.s32 $0x1BFF;
	s22 =	sshll.u32 s6, $0x1;
	s4 =	sadd.s32 s4, s21  }
0x14: {  	s23 =	simm.s32 $0x0;
	s5 =	sshll.u32 s5, $0x1;
	s6 =	sadd.s32 s22, s4  }
0x15: {  	[timem:s23], [sflag:s7] =	dma.local [hbm:s6], s5  }
0x16: {  	_ =	swait.ge [sflag:s7], s5  }
0x17: {  	s5 =	ssub.s32 $0x0, s5;
	[sflag:s7] =	ssyncset.done $0x0  }
0x18: {  	[sflag:s7] =	ssyncadd.s32 s5;
	_ =	sdelay $0x1  }
0x19: {  	s24 =	simm.s32 $0x1B8B  }
0x1a: {  	_ =	swait.ge [sflag:s24], $0x1  }
0x1b: {  	[sflag:s24] =	ssyncset.done $0x0  }
0x1c: {  	[sflag:s24] =	ssyncadd.s32 $0xFFFFFFFF  }
0x1d: {  	s5 =	sld [smem:$0x0]  }
0x1e: {  	s6 =	sand.u32 $0xFFFFFFFE, s1  }
0x1f: {  	p0 =	sne.s32 s1, s6  }
0x20: {  	s6 =	sshll.u32 @p0 s6, $0xE  }
0x21: {  	s6 =	sadd.s32 @p0 $0x11B8D, s6;
	s7 =	sshll.u32 @p0 s5, $0x11  }
0x22: {  	s6 =	sor.u32 @p0 s7, s6  }
0x23: {  	[sflag:s6] =	ssyncadd.remote.s32 @p0 $0x1;
	_ =	sdelay $0x1  }
0x24: {  	s6 =	simm.s32 @p0 $0x1B8D  }
0x25: {  	_ =	swait.eq @p0 [sflag:s6], $0x1  }
0x26: {  	[sflag:s6] =	ssyncadd.s32 @p0 $0xFFFFFFFF  }
0x27: {  	s7 =	sshll.u32 @!p0 s1, $0xE  }
0x28: {  	s7 =	sor.u32 @!p0 $0x4000, s7;
	s6 =	simm.s32 @!p0 $0x1B8D  }
0x29: {  	s5 =	sshll.u32 @!p0 s5, $0x11;
	s7 =	sadd.s32 @!p0 $0x11B8D, s7;
	_ =	swait.eq @!p0 [sflag:s6], $0x1  }
0x2a: {  	s5 =	sor.u32 @!p0 s5, s7;
	[sflag:s6] =	ssyncadd.s32 @!p0 $0xFFFFFFFF  }
0x2b: {  	s26 =	simm.s32 $0x1B8E;
	s25 =	sld [smem:$0x3FFE];
	[sflag:s5] =	ssyncadd.remote.s32 @!p0 $0x1  }
0x2c: {  	s27 =	simm.s32 $execute0_lowered;
	[smem:$0x3FD2] =	sst s26  }
0x2d: {  	s6 =	sshll.u32 s27, $0x1;
	_ =	strace $0x8000004C;
	[dreg:$0x1] =	wrdreg $0xFFFFFFFF  }
0x2e: {  	s28 =	simm.s32 $_size_execute0_lowered;
	s4 =	sadd.s32 s4, s6;
	[dreg:$0x0] =	wrdreg $0x0  }
0x2f: {  	s6 =	sshll.u32 s28, $0x1;
	[dreg:$0x2] =	wrdreg s4  }
0x30: {  	[dreg:$0x3] =	wrdreg s6  }
0x31: {  	[dreg:$0x4] =	wrdreg $0xC0  }
0x32: {  	_ =	task [dreg:s23], $0x5FFFF  }
0x33: {  	[dreg:$0x1] =	wrdreg $0xFFFFFFFF  }
0x34: {  	[dreg:$0x0] =	wrdreg $0x60  }
0x35: {  	[dreg:$0x2] =	wrdreg s19  }
0x36: {  	[dreg:$0x3] =	wrdreg s25  }
0x37: {  	[dreg:$0x4] =	wrdreg $0x9  }
0x38: {  	_ =	task.clear_ibuf [dreg:s23], $0x5FFFF;
	_ =	strace $0x9000004C  }
0x39: {  	s29 =	simm.s32 $0x9;
	_ =	strace $0x8000004E  }
0x3a: {  	_ =	swait.ge [sflag:s29], $0x1  }
0x3b: {  	[sflag:s29] =	ssyncadd.s32 $0xFFFFFFFF  }
0x3c: {  	_ =	strace $0x9000004E  }
0x3d: {  	_ =	sfence  }
0x3e: {  	s30 =	sld [smem:$0x0];
	_ =	sdelay $0x2  }
0x3f: {  	s31 =	sshll.u32 s1, $0xD;
	s1 =	sshrl.u32 s1, $0x2  }
0x40: {  	s4 =	sand.u32 $0x4000, s31;
	s1 =	sadd.s32 s1, s30  }
0x41: {  	s0 =	sor.u32 s4, s0;
	s1 =	sshll.u32 s1, $0x11  }
0x42: {  	s0 =	sor.u32 s1, s0  }
0x43: {  	s0 =	sadd.s32 $0x8F2B, s0  }
0x44: {  	[sflag:s0] =	ssyncadd.remote.s32 $0x1  }
0x45: {  	_ =	sfence.sel $0xFFFF  }
0x46: {  	[dreg:$0x0] =	wrdreg $0xFFFFFFFF;
	(pc) =	sbr.abs _section_cstart, $3  }
0x47: {  	[dreg:$0x1] =	wrdreg $0xFFFFFFFF  }
0x48: {  	_ =	task.clear_ibuf [dreg:s23], $0x2FFFF;
	_ =	strace $0x9FFFFFFF  }
0x49: {  	(tm) =	ssettm $0x7FFFFFFF  }
tec
execute0_lowered:
.L_overlay_start_1:
0x0: {  	(tag) =	ssettag $0x1  }
0x1: {  	s2 =	rddreg [dreg:$0x0]  }
0x2: {  	s6 =	rddreg [dreg:$0x1];
	s1 =	stileid.u32  }
0x3: {  	s0 =	rddreg [dreg:$0x2];
	s4 =	srdreg.scid;
	_ =	strace $0x8000004D  }
0x4: {  	s9 =	simm.s32 $0x2;
	s19 =	simm.s32 $0x0;
	p0 =	por $0x0, $0x0  }
0x5: {  	s16 =	simm.s32 $0x0;
	s17 =	simm.s32 $0x0;
	s18 =	simm.s32 $0x0  }
0x6: {  	s20 =	simm.s32 $0x0;
	s10 =	simm.s32 $0x0;
	s12 =	simm.s32 $0x0  }
0x7: {  	s13 =	simm.s32 $0x0;
	s3 =	sand.u32 $0x1, s1;
	s4 =	sshll.u32 s4, $0x4  }
0x8: {  	s15 =	simm.s32 $0x0;
	s5 =	ssub.s32 $0x2, s3;
	s4 =	sand.u32 $0x10, s4  }
.Ltmp0:
0x9: {  	s7 =	sshrl.u32 s5, $0x1;
	s5 =	sand.u32 $0x1, s5;
	(pc) =	sbr.rel .LBB1_1-.Ltmp0, $4  }
0xa: {  	s8 =	sor.u32 s1, s4;
	s4 =	simm.s32 $0x1;
	s5 =	sadd.s32 s5, s7  }
0xb: {  	s6 =	sadd.s32 $0xC81800, s6;
	[sflag:s4] =	ssyncpa.u1 $0x0;
	s5 =	smul.u32 $0x64, s5  }
0xc: {  	s14 =	smov.u32 s3;
	s7 =	sshrl.u32 s8, $0x1;
	[sflag:s9] =	ssyncpa.u1 $0x0  }
0xd: {  	s9 =	simm.s32 $0xA000;
	s11 =	smov.u32 s7;
	s8 =	sor.u32 $0x1, s5  }
.LBB1_4:
0xe: {  	s19 =	sshll.u32 s19, $0x7;
	s20 =	smul.u32 $0x190000, s20  }
0xf: {  	s23 =	sshll.u32 s16, $0x3;
	s17 =	smul.u32 $0x50000, s17;
	s18 =	sshll.u32 s18, $0xA  }
0x10: {  	s28 =	sshrl.u32 s16, $0x3;
	s24 =	sand.u32 $0x1C00, s19;
	s23 =	sand.u32 $0x1C00, s23  }
0x11: {  	s19 =	sand.u32 $0x380, s19;
	s23 =	sadd.s32 s23, s24;
	s20 =	sadd.s32 s6, s20  }
0x12: {  	s30 =	sand.u32 $0x7, s16;
	s19 =	sor.u32 s19, s23;
	s18 =	sadd.s32 s18, s20  }
0x13: {  	[tilespmem:s22+$0x410 ss:$0x41] =	vst.msk $0xffff, v2;
	s29 =	sand.u32 $0xF, s28;
	s19 =	sshrl.u32 s19, $0x3;
	s17 =	sadd.s32 s17, s18  }
0x14: {  	[tilespmem:s22+$0x820 ss:$0x41] =	vst.msk $0xffff, v0;
	s16 =	sshll.u32 s30, $0x12;
	s31 =	sand.u32 $0x3F0, s19;
	s17 =	sadd.s32 s29, s17  }
0x15: {  	[tilespmem:s22+$0x0 ss:$0x41] =	vst.msk $0xffff, v1;
	s16 =	sor.u32 $0x40, s16;
	s17 =	sadd.s32 s31, s17  }
0x16: {  	[hbm4b:s17+s16] =	stream.strided.scatter [tilespmem:s21], [sflag:$0x2], $0x1000, s9, s16, $0x18;
	[tilespmem:$0x4080] =	vst v63  }
.LBB1_5:
0x17: {  	s21 =	sadd.s32 $0x10, s11  }
0x18: {  	s16 =	sadd.s32 $0x40, s10;
	s22 =	smov.u32 s10;
	p2 =	sgt.s32 s21, $0x3F  }
0x19: {  	s22 =	smov.u32 @p2 s16  }
0x1a: {  	s16 =	simm.s32 $0x1;
	p3 =	sgt.s32 s22, $0x3F  }
0x1b: {  	s16 =	simm.s32 @!p3 $0x0  }
0x1c: {  	s23 =	sadd.s32 s16, s12  }
0x1d: {  	s16 =	simm.s32 $0x1;
	p4 =	sgt.s32 s23, $0x4  }
0x1e: {  	s16 =	simm.s32 @!p4 $0x0  }
0x1f: {  	p1 =	slt.u32 s15, $0x2;
	s25 =	smov.u32 s14;
	s24 =	sadd.s32 s16, s13  }
0x20: {  	s19 =	smov.u32 s11;
	s16 =	sadd.s32 $0x2, s14;
	p5 =	sgt.s32 s24, $0x4  }
0x21: {  	s17 =	smov.u32 s12;
	s18 =	smov.u32 s13;
	s25 =	smov.u32 @p5 s16  }
0x22: {  	s20 =	smov.u32 s14;
	s21 =	smov.u32 @p2 s7;
	p2 =	sgt.s32 s25, $0x1  }
0x23: {  	s26 =	simm.s32 @!p1 $0x2;
	s25 =	smov.u32 @p2 s3;
	p2 =	sne.s32 s15, s8  }
.Ltmp1:
0x24: {  	p0 =	por !p0, !p0;
	_ =	swait.ge @!p1 [sflag:s26], $0x1000;
	(pc) =	sbr.rel @!p2 .LBB1_6-.Ltmp1, $4  }
0x25: {  	[sflag:s26] =	ssyncset.done @!p1 $0x0;
	s11 =	smov.u32 s21;
	s23 =	simm.s32 @p4 $0x0  }
0x26: {  	s22 =	simm.s32 @p3 $0x0;
	[sflag:s26] =	ssyncadd.s32 @!p1 $0xFFFFF000;
	s12 =	smov.u32 s23  }
0x27: {  	s24 =	simm.s32 @p5 $0x0;
	s16 =	smov.u32 s10;
	s10 =	smov.u32 s22  }
0x28: {  	s13 =	smov.u32 s24;
	s15 =	sadd.s32 $0x1, s15;
	s14 =	smov.u32 s25  }
.LBB1_1:
0x29: {  	p1 =	sge.u32 s15, s5  }
0x2a: {  	s21 =	smul.u32 @!p1 $0x190000, s14  }
0x2b: {  	s22 =	smul.u32 @!p1 $0x50000, s13  }
0x2c: {  	s31 =	sadd.s32 $0xFFFFFFFF, s15;
	s23 =	sxor.u32 @!p1 $0xFFFFFFFF, s15;
	s21 =	sadd.s32 @!p1 s2, s21  }
0x2d: {  	s24 =	sshll.u32 @!p1 s12, $0x10;
	s25 =	sshll.u32 @!p1 s11, $0x4;
	s21 =	sadd.s32 @!p1 s22, s21  }
0x2e: {  	s23 =	sshll.u32 @!p1 s23, $0xC;
	s22 =	sshll.u32 @!p1 s10, $0xA;
	s21 =	sadd.s32 @!p1 s24, s21  }
0x2f: {  	s23 =	sand.u32 @!p1 $0x1000, s23;
	s24 =	sand.u32 @!p1 $0x3F0, s25;
	s21 =	sadd.s32 @!p1 s22, s21  }
0x30: {  	s22 =	simm.s32 @!p1 $0x40;
	s21 =	sadd.s32 @!p1 s24, s21;
	s24 =	simm.s32 @!p1 $0x2000  }
0x31: {  	[tilespmem:s23], [sflag:$0x1] =	stream.strided.gather @!p1 [hbm4b:s21+s22], $0x1000, s24, s22, $0x38;
	[tilespmem:$0x4080] =	vst v63  }
0x32: {  	p1 =	sge.u32 s31, s5  }
.Ltmp2:
0x33: {  	_ = 	snop;
	(pc) =	sbr.rel @p1 .LBB1_5-.Ltmp2, $1  }
0x34: {  	_ =	sdelay $0x3  }
0x35: {  	s21 =	simm.s32 $0x1  }
0x36: {  	_ =	swait.ge [sflag:s4], $0x1000;
	s21 =	simm.s32 @!p0 $0x0  }
0x37: {  	[sflag:s4] =	ssyncset.done $0x0;
	s22 =	sshll.u32 s21, $0xC  }
0x38: {  	[sflag:s4] =	ssyncadd.s32 $0xFFFFF000;
	s25 =	sor.u32 $0x20, s22  }
0x39: {  	s21 =	smul.u32 $0x4100, s21;
	v3 =	vld [tilespmem:s25+$0x10]  }
0x3a: {  	s30 =	sand.u32 $0x1, s15;
	v2 =	vld [tilespmem:s25+$0xFFFFFFF0]  }
0x3b: {  	s22 =	smul.u32 $0x4100, s30;
	s21 =	sshrl.u32 s21, $0x2;
	v0 =	vld [tilespmem:s25+$0x0]  }
0x3c: {  	v1 =	vld [tilespmem:s25+$0xFFFFFFE0];
	s23 =	sor.u32 $0x2000, s21  }
0x3d: {  	s31 =	sshrl.u32 s22, $0x2;
	s22 =	sadd.s32 $0x0, s23  }
0x3e: {  	s24 =	simm.s32 $0x4;
	s25 =	sadd.s32 $0x40, s25;
	s21 =	sor.u32 $0x2000, s31;
	[tilespmem:s22+$0xC30 ss:$0x41] =	vst.msk $0xffff, v3  }
.LBB1_3:
0x3f: {  	v3 =	vld [tilespmem:s25+$0x10];
	p1 =	sne.s32 s24, $0xFC;
	[tilespmem:s22+$0x410 ss:$0x41] =	vst.msk $0xffff, v2;
	s26 =	smov.u32 s24;
	s24 =	sadd.s32 $0x4, s24  }
.Ltmp3:
0x40: {  	v2 =	vld [tilespmem:s25+$0xFFFFFFF0];
	[tilespmem:s22+$0x820 ss:$0x41] =	vst.msk $0xffff, v0;
	(pc) =	sbr.rel @p1 .LBB1_3-.Ltmp3, $4  }
0x41: {  	v0 =	vld [tilespmem:s25+$0x0];
	[tilespmem:s22+$0x0 ss:$0x41] =	vst.msk $0xffff, v1  }
0x42: {  	s22 =	sshra.s32 s26, $0x2;
	v1 =	vld [tilespmem:s25+$0xFFFFFFE0]  }
0x43: {  	s22 =	sadd.s32 s22, s23  }
0x44: {  	s25 =	sadd.s32 $0x40, s25;
	[tilespmem:s22+$0xC30 ss:$0x41] =	vst.msk $0xffff, v3  }
.Ltmp4:
0x45: {  	_ = 	snop;
	(pc) =	sbr.rel .LBB1_4-.Ltmp4, $1  }
0x46: {  	_ =	sdelay $0x3  }
.LBB1_6:
0x47: {  	_ =	sfence.sel $0x180000  }
0x48: {  	s2 =	simm.s32 $0x1;
	[bflag:$0x0] =	sbarrier.arrive $0xFFFF  }
0x49: {  	s31 =	simm.s32 $0x2;
	[sflag:s2] =	ssyncpa.u1 $0x1  }
0x4a: {  	[sflag:s31] =	ssyncpa.u1 $0x1  }
0x4b: {  	p0 =	sne.s32 s1, $0x0;
	_ =	strace $0x9000004D  }
0x4c: {  	s0 =	sadd.s32 @!p0 $0x100000, s0;
	[bflag:$0x2] =	sbarrier.arrive $0xFFFF  }
0x4d: {  	[sflag:s0] =	ssyncadd.tile.s32 @!p0 $0x1;
	_ =	shalt  }
.Lfunc_end1:
_tile_overlayer_lowered:
.L_overlay_start_2:
0x4e: {  	(tag) =	ssettag $0x2  }
0x4f: {  	s0 =	rddreg [dreg:$0x0];
	s2 =	stileid.u32  }
0x50: {  	s1 =	rddreg [dreg:$0x1];
	p0 =	sne.s32 s2, $0x0  }
0x51: {  	s3 =	rddreg [dreg:$0x2];
	[bflag:$0x3] =	sbarrier.arrive $0xFFFF;
	s2 =	simm.s32 @!p0 $0x1C01  }
0x52: {  	[timem:s3], [sflag:s2] =	dma.local @!p0 [hbm:s0], s1  }
0x53: {  	s0 =	simm.s32 @!p0 $0x1  }
0x54: {  	_ =	swait.ge @!p0 [sflag:s0], s1  }
0x55: {  	s1 =	ssub.s32 @!p0 $0x0, s1;
	[sflag:s0] =	ssyncset.done @!p0 $0x0  }
0x56: {  	[sflag:s0] =	ssyncadd.s32 @!p0 s1  }
0x57: {  	[bflag:$0x3] =	sbarrier.arrive $0xFFFF  }
0x58: {  	_ =	shalt  }

// kernel: sparse-core-data-format-call.cloned.1.call-start
scs
called_computation_lowered:
.L_overlay_start_0:
0x0: {  	s2 =	sld [smem:$0x3FD9]  }
0x1: {  	s3 =	sld [smem:$0x3FFE];
	_ =	sdelay $0x1  }
0x2: {  	s1 =	srdreg.scid  }
0x3: {  	s0 =	sand.u32 $0x1, s1  }
0x4: {  	s18 =	sshll.u32 s0, $0xA;
	s2 =	sadd.s32 s3, s2  }
0x5: {  	s2 =	sadd.s32 s2, s18  }
0x6: {  	[smem:$0x3FC5] =	sst s2  }
0x7: {  	_ = 	snop  }
0x8: {  	s2 =	sld [smem:$0x3FD0];
	(tm) =	ssettm $0x1  }
0x9: {  	s19 =	sld [smem:$0x3FFB];
	_ =	sdelay $0x3  }
0xa: {  	_ =	strace s19  }
0xb: {  	s3 =	sld [smem:$0x3FFC];
	_ =	sdelay $0x3  }
0xc: {  	_ =	strace s3  }
0xd: {  	s3 =	sld [smem:$0x3FFD];
	_ =	sdelay $0x3  }
0xe: {  	_ =	strace s3  }
0xf: {  	_ =	strace $0x8FFFFFFF  }
0x10: {  	s20 =	sld [smem:$0x3FDB];
	_ =	sdelay $0x1  }
0x11: {  	s4 =	simm.s32 $_scs_section_size  }
0x12: {  	s5 =	simm.s32 $_size__tile_overlayer_lowered;
	s6 =	simm.s32 $_tile_overlayer_lowered  }
0x13: {  	s23 =	simm.s32 $0x1BFF;
	s22 =	sshll.u32 s6, $0x1;
	s3 =	sadd.s32 s4, s20  }
0x14: {  	s7 =	simm.s32 $0x0;
	s21 =	sshll.u32 s5, $0x1;
	s5 =	sadd.s32 s22, s3  }
0x15: {  	[timem:s7], [sflag:s23] =	dma.local [hbm:s5], s21  }
0x16: {  	_ =	swait.ge [sflag:s23], s21  }
0x17: {  	s4 =	ssub.s32 $0x0, s21;
	[sflag:s23] =	ssyncset.done $0x0  }
0x18: {  	[sflag:s23] =	ssyncadd.s32 s4;
	_ =	sdelay $0x1  }
0x19: {  	s24 =	simm.s32 $0x1B8B  }
0x1a: {  	_ =	swait.ge [sflag:s24], $0x1  }
0x1b: {  	[sflag:s24] =	ssyncset.done $0x0  }
0x1c: {  	s26 =	simm.s32 $0x1B8E;
	s25 =	sld [smem:$0x3FFE];
	[sflag:s24] =	ssyncadd.s32 $0xFFFFFFFF  }
0x1d: {  	s27 =	simm.s32 $execute0_lowered;
	[smem:$0x3FD2] =	sst s26  }
0x1e: {  	s5 =	sshll.u32 s27, $0x1;
	_ =	strace $0x8000004F;
	[dreg:$0x1] =	wrdreg $0xFFFFFFFF  }
0x1f: {  	s28 =	simm.s32 $_size_execute0_lowered;
	s3 =	sadd.s32 s3, s5;
	[dreg:$0x0] =	wrdreg $0x0  }
0x20: {  	s5 =	sshll.u32 s28, $0x1;
	[dreg:$0x2] =	wrdreg s3  }
0x21: {  	[dreg:$0x3] =	wrdreg s5  }
0x22: {  	[dreg:$0x4] =	wrdreg $0xC0  }
0x23: {  	_ =	task [dreg:s7], $0x5FFFF  }
0x24: {  	[dreg:$0x1] =	wrdreg $0xFFFFFFFF  }
0x25: {  	[dreg:$0x0] =	wrdreg $0x60  }
0x26: {  	[dreg:$0x2] =	wrdreg s25  }
0x27: {  	[dreg:$0x3] =	wrdreg s2  }
0x28: {  	[dreg:$0x4] =	wrdreg $0x9  }
0x29: {  	_ =	task.clear_ibuf [dreg:s7], $0x5FFFF;
	_ =	strace $0x9000004F  }
0x2a: {  	s29 =	simm.s32 $0x9;
	_ =	strace $0x80000051  }
0x2b: {  	_ =	swait.ge [sflag:s29], $0x1  }
0x2c: {  	[sflag:s29] =	ssyncadd.s32 $0xFFFFFFFF  }
0x2d: {  	_ =	strace $0x90000051  }
0x2e: {  	_ =	sfence  }
0x2f: {  	s30 =	sld [smem:$0x0];
	_ =	sdelay $0x2  }
0x30: {  	s31 =	sshll.u32 s1, $0xD;
	s1 =	sshrl.u32 s1, $0x2  }
0x31: {  	s3 =	sand.u32 $0x4000, s31;
	s1 =	sadd.s32 s1, s30  }
0x32: {  	s0 =	sor.u32 s3, s0;
	s1 =	sshll.u32 s1, $0x11  }
0x33: {  	s0 =	sor.u32 s1, s0  }
0x34: {  	s0 =	sadd.s32 $0x8F2B, s0  }
0x35: {  	[sflag:s0] =	ssyncadd.remote.s32 $0x1  }
0x36: {  	_ =	sfence.sel $0xFFFF  }
0x37: {  	[dreg:$0x0] =	wrdreg $0xFFFFFFFF;
	(pc) =	sbr.abs _section_cstart, $3  }
0x38: {  	[dreg:$0x1] =	wrdreg $0xFFFFFFFF  }
0x39: {  	_ =	task.clear_ibuf [dreg:s7], $0x2FFFF;
	_ =	strace $0x9FFFFFFF  }
0x3a: {  	(tm) =	ssettm $0x7FFFFFFF  }
0x3b: {  	_ =	shalt  }
tec
execute0_lowered:
.L_overlay_start_1:
0x0: {  	(tag) =	ssettag $0x1  }
0x1: {  	s6 =	rddreg [dreg:$0x0]  }
0x2: {  	s2 =	rddreg [dreg:$0x1];
	s1 =	stileid.u32  }
0x3: {  	s0 =	rddreg [dreg:$0x2];
	s4 =	srdreg.scid;
	_ =	strace $0x80000050  }
0x4: {  	s9 =	simm.s32 $0x2;
	s19 =	simm.s32 $0x0;
	p0 =	por $0x0, $0x0  }
0x5: {  	s17 =	simm.s32 $0x0;
	s16 =	simm.s32 $0x0;
	s18 =	simm.s32 $0x0  }
0x6: {  	s20 =	simm.s32 $0x0;
	s10 =	simm.s32 $0x0;
	s12 =	simm.s32 $0x0  }
0x7: {  	s13 =	simm.s32 $0x0;
	s3 =	sand.u32 $0x1, s1;
	s4 =	sshll.u32 s4, $0x4  }
0x8: {  	s15 =	simm.s32 $0x0;
	s5 =	ssub.s32 $0x2, s3;
	s4 =	sand.u32 $0x10, s4  }
.Ltmp0:
0x9: {  	s7 =	sshrl.u32 s5, $0x1;
	s5 =	sand.u32 $0x1, s5;
	(pc) =	sbr.rel .LBB1_1-.Ltmp0, $4  }
0xa: {  	s8 =	sor.u32 s1, s4;
	s4 =	simm.s32 $0x1;
	s5 =	sadd.s32 s5, s7  }
0xb: {  	s6 =	sadd.s32 $0x1800, s6;
	[sflag:s4] =	ssyncpa.u1 $0x0;
	s5 =	smul.u32 $0x64, s5  }
0xc: {  	s14 =	smov.u32 s3;
	s7 =	sshrl.u32 s8, $0x1;
	[sflag:s9] =	ssyncpa.u1 $0x0  }
0xd: {  	s9 =	simm.s32 $0x2000;
	s11 =	smov.u32 s7;
	s8 =	sor.u32 $0x1, s5  }
.LBB1_4:
0xe: {  	s19 =	sshll.u32 s19, $0x7;
	s20 =	smul.u32 $0x190000, s20  }
0xf: {  	s23 =	sshll.u32 s16, $0x3;
	s17 =	smul.u32 $0x50000, s17;
	s18 =	sshll.u32 s18, $0x10  }
0x10: {  	s28 =	sshrl.u32 s16, $0x3;
	s24 =	sand.u32 $0x1C00, s19;
	s23 =	sand.u32 $0x1C00, s23  }
0x11: {  	s19 =	sand.u32 $0x380, s19;
	s23 =	sadd.s32 s23, s24;
	s20 =	sadd.s32 s2, s20  }
0x12: {  	s30 =	sand.u32 $0x7, s16;
	s19 =	sor.u32 s19, s23;
	s18 =	sadd.s32 s18, s20  }
0x13: {  	[tilespmem:s22+$0x410 ss:$0x41] =	vst.msk $0xffff, v2;
	s29 =	sand.u32 $0xF, s28;
	s19 =	sshrl.u32 s19, $0x3;
	s17 =	sadd.s32 s17, s18  }
0x14: {  	[tilespmem:s22+$0x820 ss:$0x41] =	vst.msk $0xffff, v0;
	s16 =	sshll.u32 s30, $0x12;
	s31 =	sand.u32 $0x3F0, s19;
	s17 =	sadd.s32 s29, s17  }
0x15: {  	[tilespmem:s22+$0x0 ss:$0x41] =	vst.msk $0xffff, v1;
	s16 =	sor.u32 $0x40, s16;
	s17 =	sadd.s32 s31, s17  }
0x16: {  	[hbm4b:s17+s16] =	stream.strided.scatter [tilespmem:s21], [sflag:$0x2], $0x1000, s9, s16, $0x18;
	[tilespmem:$0x4080] =	vst v63  }
.LBB1_5:
0x17: {  	s21 =	sadd.s32 $0x10, s11  }
0x18: {  	s16 =	simm.s32 $0x1;
	p2 =	sgt.s32 s21, $0x3F  }
0x19: {  	s16 =	simm.s32 @!p2 $0x0  }
0x1a: {  	s22 =	sadd.s32 s16, s10  }
0x1b: {  	s23 =	smov.u32 s12;
	s16 =	sadd.s32 $0x40, s12;
	p3 =	sgt.s32 s22, $0x4  }
0x1c: {  	s23 =	smov.u32 @p3 s16  }
0x1d: {  	s16 =	simm.s32 $0x1;
	p4 =	sgt.s32 s23, $0x3F  }
0x1e: {  	s16 =	simm.s32 @!p4 $0x0  }
0x1f: {  	p1 =	slt.u32 s15, $0x2;
	s25 =	smov.u32 s14;
	s24 =	sadd.s32 s16, s13  }
0x20: {  	s19 =	smov.u32 s11;
	s16 =	sadd.s32 $0x2, s14;
	p5 =	sgt.s32 s24, $0x4  }
0x21: {  	s17 =	smov.u32 s10;
	s18 =	smov.u32 s13;
	s25 =	smov.u32 @p5 s16  }
0x22: {  	s20 =	smov.u32 s14;
	s21 =	smov.u32 @p2 s7;
	p2 =	sgt.s32 s25, $0x1  }
0x23: {  	s26 =	simm.s32 @!p1 $0x2;
	s25 =	smov.u32 @p2 s3;
	p2 =	sne.s32 s15, s8  }
.Ltmp1:
0x24: {  	p0 =	por !p0, !p0;
	_ =	swait.ge @!p1 [sflag:s26], $0x1000;
	(pc) =	sbr.rel @!p2 .LBB1_6-.Ltmp1, $4  }
0x25: {  	[sflag:s26] =	ssyncset.done @!p1 $0x0;
	s11 =	smov.u32 s21;
	s22 =	simm.s32 @p3 $0x0  }
0x26: {  	[sflag:s26] =	ssyncadd.s32 @!p1 $0xFFFFF000;
	s10 =	smov.u32 s22;
	s23 =	simm.s32 @p4 $0x0  }
0x27: {  	s24 =	simm.s32 @p5 $0x0;
	s16 =	smov.u32 s12;
	s12 =	smov.u32 s23  }
0x28: {  	s13 =	smov.u32 s24;
	s15 =	sadd.s32 $0x1, s15;
	s14 =	smov.u32 s25  }
.LBB1_1:
0x29: {  	p1 =	sge.u32 s15, s5  }
0x2a: {  	s21 =	smul.u32 @!p1 $0x190000, s14  }
0x2b: {  	s22 =	smul.u32 @!p1 $0x50000, s13  }
0x2c: {  	s31 =	sadd.s32 $0xFFFFFFFF, s15;
	s24 =	smul.u32 @!p1 $0x1400, s12;
	s21 =	sadd.s32 @!p1 s6, s21  }
0x2d: {  	s23 =	sxor.u32 @!p1 $0xFFFFFFFF, s15;
	s25 =	sshll.u32 @!p1 s11, $0x4;
	s21 =	sadd.s32 @!p1 s22, s21  }
0x2e: {  	s23 =	sshll.u32 @!p1 s23, $0xC;
	s22 =	sshll.u32 @!p1 s10, $0xA;
	s21 =	sadd.s32 @!p1 s24, s21  }
0x2f: {  	s23 =	sand.u32 @!p1 $0x1000, s23;
	s24 =	sand.u32 @!p1 $0x3F0, s25;
	s21 =	sadd.s32 @!p1 s22, s21  }
0x30: {  	s22 =	simm.s32 @!p1 $0x40;
	s21 =	sadd.s32 @!p1 s24, s21;
	s24 =	simm.s32 @!p1 $0xA000  }
0x31: {  	[tilespmem:s23], [sflag:$0x1] =	stream.strided.gather @!p1 [hbm4b:s21+s22], $0x1000, s24, s22, $0x38;
	[tilespmem:$0x4080] =	vst v63  }
0x32: {  	p1 =	sge.u32 s31, s5  }
.Ltmp2:
0x33: {  	_ = 	snop;
	(pc) =	sbr.rel @p1 .LBB1_5-.Ltmp2, $1  }
0x34: {  	_ =	sdelay $0x3  }
0x35: {  	s21 =	simm.s32 $0x1  }
0x36: {  	_ =	swait.ge [sflag:s4], $0x1000;
	s21 =	simm.s32 @!p0 $0x0  }
0x37: {  	[sflag:s4] =	ssyncset.done $0x0;
	s22 =	sshll.u32 s21, $0xC  }
0x38: {  	[sflag:s4] =	ssyncadd.s32 $0xFFFFF000;
	s25 =	sor.u32 $0x20, s22  }
0x39: {  	s21 =	smul.u32 $0x4100, s21;
	v3 =	vld [tilespmem:s25+$0x10]  }
0x3a: {  	s30 =	sand.u32 $0x1, s15;
	v2 =	vld [tilespmem:s25+$0xFFFFFFF0]  }
0x3b: {  	s22 =	smul.u32 $0x4100, s30;
	s21 =	sshrl.u32 s21, $0x2;
	v0 =	vld [tilespmem:s25+$0x0]  }
0x3c: {  	v1 =	vld [tilespmem:s25+$0xFFFFFFE0];
	s23 =	sor.u32 $0x2000, s21  }
0x3d: {  	s31 =	sshrl.u32 s22, $0x2;
	s22 =	sadd.s32 $0x0, s23  }
0x3e: {  	s24 =	simm.s32 $0x4;
	s25 =	sadd.s32 $0x40, s25;
	s21 =	sor.u32 $0x2000, s31;
	[tilespmem:s22+$0xC30 ss:$0x41] =	vst.msk $0xffff, v3  }
.LBB1_3:
0x3f: {  	v3 =	vld [tilespmem:s25+$0x10];
	p1 =	sne.s32 s24, $0xFC;
	[tilespmem:s22+$0x410 ss:$0x41] =	vst.msk $0xffff, v2;
	s26 =	smov.u32 s24;
	s24 =	sadd.s32 $0x4, s24  }
.Ltmp3:
0x40: {  	v2 =	vld [tilespmem:s25+$0xFFFFFFF0];
	[tilespmem:s22+$0x820 ss:$0x41] =	vst.msk $0xffff, v0;
	(pc) =	sbr.rel @p1 .LBB1_3-.Ltmp3, $4  }
0x41: {  	v0 =	vld [tilespmem:s25+$0x0];
	[tilespmem:s22+$0x0 ss:$0x41] =	vst.msk $0xffff, v1  }
0x42: {  	s22 =	sshra.s32 s26, $0x2;
	v1 =	vld [tilespmem:s25+$0xFFFFFFE0]  }
0x43: {  	s22 =	sadd.s32 s22, s23  }
0x44: {  	s25 =	sadd.s32 $0x40, s25;
	[tilespmem:s22+$0xC30 ss:$0x41] =	vst.msk $0xffff, v3  }
.Ltmp4:
0x45: {  	_ = 	snop;
	(pc) =	sbr.rel .LBB1_4-.Ltmp4, $1  }
0x46: {  	_ =	sdelay $0x3  }
.LBB1_6:
0x47: {  	_ =	sfence.sel $0x180000  }
0x48: {  	s2 =	simm.s32 $0x1;
	[bflag:$0x0] =	sbarrier.arrive $0xFFFF  }
0x49: {  	s31 =	simm.s32 $0x2;
	[sflag:s2] =	ssyncpa.u1 $0x1  }
0x4a: {  	[sflag:s31] =	ssyncpa.u1 $0x1  }
0x4b: {  	p0 =	sne.s32 s1, $0x0;
	_ =	strace $0x90000050  }
0x4c: {  	s0 =	sadd.s32 @!p0 $0x100000, s0;
	[bflag:$0x2] =	sbarrier.arrive $0xFFFF  }
0x4d: {  	[sflag:s0] =	ssyncadd.tile.s32 @!p0 $0x1;
	_ =	shalt  }
.Lfunc_end1:
_tile_overlayer_lowered:
.L_overlay_start_2:
0x4e: {  	(tag) =	ssettag $0x2  }
0x4f: {  	s0 =	rddreg [dreg:$0x0];
	s2 =	stileid.u32  }
0x50: {  	s1 =	rddreg [dreg:$0x1];
	p0 =	sne.s32 s2, $0x0  }
0x51: {  	s3 =	rddreg [dreg:$0x2];
	[bflag:$0x3] =	sbarrier.arrive $0xFFFF;
	s2 =	simm.s32 @!p0 $0x1C01  }
0x52: {  	[timem:s3], [sflag:s2] =	dma.local @!p0 [hbm:s0], s1  }
0x53: {  	s0 =	simm.s32 @!p0 $0x1  }
0x54: {  	_ =	swait.ge @!p0 [sflag:s0], s1  }
0x55: {  	s1 =	ssub.s32 @!p0 $0x0, s1;
	[sflag:s0] =	ssyncset.done @!p0 $0x0  }
0x56: {  	[sflag:s0] =	ssyncadd.s32 @!p0 s1  }
0x57: {  	[bflag:$0x3] =	sbarrier.arrive $0xFFFF  }
0x58: {  	_ =	shalt  }

</sc_bundles>
